<compile_context>
chip_gen: v7x
topology: tpu7x:2x2x1
jax: 0.10.2.dev20260603
libtpu: 0.0.44.dev20260713+nightly
codegen_flags: <defaults>
</compile_context>

<pallas_src>
import functools

import jax
import jax.numpy as jnp
from jax import lax
from jax.experimental import pallas as pl
from jax.experimental.pallas import tpu as pltpu
from jax.experimental.pallas import tpu_sc as plsc

BATCH = 16
NUM_SEG = 64
SEG_LEN = 128
EMB = 128

NC = 2
NS = 16
NW = NC * NS
ECH = EMB // 16

SC_BATCH = 1
TC_BATCH = BATCH - SC_BATCH
NBUF = 2
RU = 2


def _sc_run(x3, seg_table, pos_table):
    slabs = SC_BATCH * NUM_SEG
    spw = slabs // NW
    mesh = plsc.VectorSubcoreMesh(core_axis_name="c", subcore_axis_name="s")

    @functools.partial(
        pl.kernel,
        out_type=jax.ShapeDtypeStruct((slabs, SEG_LEN, EMB), jnp.float32),
        mesh=mesh,
        scratch_types=[
            pltpu.VMEM((NUM_SEG, EMB), jnp.float32),
            pltpu.VMEM((SEG_LEN, EMB), jnp.float32),
            [pltpu.VMEM((SEG_LEN, EMB), jnp.float32)] * NBUF,
            [pltpu.SemaphoreType.DMA] * NBUF,
            [pltpu.SemaphoreType.DMA] * NBUF,
            pltpu.SemaphoreType.DMA,
        ],
    )
    def run(x_hbm, seg_hbm, pos_hbm, out_hbm, seg_v, pos_v, bufs, in_sems,
            out_sems, tab_sem):
        c = lax.axis_index("c")
        s = lax.axis_index("s")
        wid = s * NC + c
        base = wid * spw

        def start_in(i, b):
            return pltpu.async_copy(x_hbm.at[base + i], bufs[b], in_sems[b])

        seg_h = pltpu.async_copy(seg_hbm, seg_v, tab_sem)
        pos_h = pltpu.async_copy(pos_hbm, pos_v, tab_sem)

        in_h = {}
        out_h = {}
        for i in range(min(NBUF - 1, spw)):
            in_h[i] = start_in(i, i)
        seg_h.wait()
        pos_h.wait()

        for i in range(spw):
            b = i % NBUF
            in_h.pop(i).wait()
            slab = base + i
            n = lax.rem(slab, NUM_SEG)
            buf = bufs[b]
            segv = tuple(seg_v[n, pl.ds(e * 16, 16)] for e in range(ECH))

            def row(r, segc, buf=buf):
                for u in range(RU):
                    l = r * RU + u
                    for e in range(ECH):
                        xv = buf[l, pl.ds(e * 16, 16)]
                        pv = pos_v[l, pl.ds(e * 16, 16)]
                        buf[l, pl.ds(e * 16, 16)] = xv + pv + segc[e]
                return segc

            lax.fori_loop(0, SEG_LEN // RU, row, segv)
            out_h[i] = pltpu.async_copy(buf, out_hbm.at[slab], out_sems[b])

            nxt = i + NBUF - 1
            if nxt < spw:
                bn = nxt % NBUF
                prev = nxt - NBUF
                if prev >= 0:
                    out_h.pop(prev).wait()
                in_h[nxt] = start_in(nxt, bn)

        for i in sorted(out_h):
            out_h.pop(i).wait()

    return run(x3, seg_table, pos_table)


def _tc_body(x_ref, seg_ref, pos_ref, out_ref):
    x = x_ref[...]
    seg = seg_ref[...]
    pos = pos_ref[...]
    out_ref[...] = x + seg[None, :, None, :] + pos[None, None, :, :]


def _tc_run(x, seg_table, pos_table):
    return pl.pallas_call(
        _tc_body,
        grid=(TC_BATCH,),
        in_specs=[
            pl.BlockSpec((1, NUM_SEG, SEG_LEN, EMB),
                         lambda b: (b + SC_BATCH, 0, 0, 0)),
            pl.BlockSpec((NUM_SEG, EMB), lambda b: (0, 0)),
            pl.BlockSpec((SEG_LEN, EMB), lambda b: (0, 0)),
        ],
        out_specs=pl.BlockSpec((1, NUM_SEG, SEG_LEN, EMB),
                               lambda b: (b + SC_BATCH, 0, 0, 0)),
        out_shape=jax.ShapeDtypeStruct(
            (BATCH, NUM_SEG, SEG_LEN, EMB), x.dtype),
        compiler_params=pltpu.CompilerParams(
            dimension_semantics=("arbitrary",),
        ),
    )(x, seg_table, pos_table)


def kernel(x, seg_table, pos_table):
    x3 = x.reshape(BATCH * NUM_SEG, SEG_LEN, EMB)
    tc_out = _tc_run(x, seg_table, pos_table)
    sc_out = _sc_run(x3, seg_table, pos_table)
    return lax.dynamic_update_slice(
        tc_out, sc_out.reshape(SC_BATCH, NUM_SEG, SEG_LEN, EMB), (0, 0, 0, 0))

# --- scband reference (transcript-rebuilt; emitter-appended) ---
"""Pipeline reference for scband-segment-positional-encoding-35716948033801 (READ-ONLY COPY).

The authoritative reference and input builder live on the scoring server;
editing this copy changes nothing except your own understanding.
"""

import jax, jax.numpy as jnp
import numpy as np

EMB = 128
NUM_SEG = 64
SEG_LEN = 128
BATCH = 16

def setup_inputs(seed: int = 0) -> dict:
    key = jax.random.key(seed)
    k_x, k_seg, k_pos = jax.random.split(key, 3)
    x = jax.random.normal(k_x, (BATCH, NUM_SEG, SEG_LEN, EMB), dtype=jnp.float32)
    seg_table = jax.random.normal(k_seg, (NUM_SEG, EMB), dtype=jnp.float32)
    pos_table = jax.random.normal(k_pos, (SEG_LEN, EMB), dtype=jnp.float32)
    return {"x": x, "seg_table": seg_table, "pos_table": pos_table}

def reference(x, seg_table, pos_table):
    n = x.shape[1]
    l = x.shape[2]
    # embedding lookup of arange indices == gather of first n / l rows
    seg_bias = jnp.take(seg_table, jnp.arange(n), axis=0)  # [n, emb]
    pos_bias = jnp.take(pos_table, jnp.arange(l), axis=0)  # [l, emb]
    return x + seg_bias[None, :, None, :] + pos_bias[None, None, :, :]

if __name__ == "__main__":
    import jax
    _d = setup_inputs()
    print(jax.jit(kernel)(*tuple(_d.values())))

</pallas_src>

<mosaic_0001>
#map = affine_map<(d0, d1) -> (0, 0, 0)>
#map1 = affine_map<(d0, d1) -> (0, 0)>
module attributes {stable_mosaic.version = 14 : i64} {
  func.func @run(%arg0: i32, %arg1: i32, %arg2: memref<1024x128x128xf32, #tpu.memory_space<hbm>>, %arg3: memref<64x128xf32, #tpu.memory_space<hbm>>, %arg4: memref<128x128xf32, #tpu.memory_space<hbm>>, %arg5: memref<64x128x128xf32, #tpu.memory_space<hbm>>, %arg6: memref<64x128xf32, #tpu.memory_space<vmem>>, %arg7: memref<128x128xf32, #tpu.memory_space<vmem>>, %arg8: memref<128x128xf32, #tpu.memory_space<vmem>>, %arg9: memref<128x128xf32, #tpu.memory_space<vmem>>, %arg10: memref<!tpu.dma_semaphore, #tpu.memory_space<semaphore_mem>>, %arg11: memref<!tpu.dma_semaphore, #tpu.memory_space<semaphore_mem>>, %arg12: memref<!tpu.dma_semaphore, #tpu.memory_space<semaphore_mem>>, %arg13: memref<!tpu.dma_semaphore, #tpu.memory_space<semaphore_mem>>, %arg14: memref<!tpu.dma_semaphore, #tpu.memory_space<semaphore_mem>>) attributes {dimension_semantics = [#tpu.dimension_semantics<core_parallel>, #tpu.dimension_semantics<subcore_parallel>], iteration_bounds = array<i64: 2, 16>, scalar_prefetch = 0 : i64, scratch_operands = 9 : i64, tpu.core_type = #tpu.core_type<sc_vector_subcore>, window_params = [{transform_indices = #map}, {transform_indices = #map1}, {transform_indices = #map1}, {transform_indices = #map}]} {
    %mul3A = arith.constant 2 : i32
    %mul3A_0 = arith.muli %arg1, %mul3A : i32
    %add3A = arith.addi %mul3A_0, %arg0 : i32
    %mul3A_1 = arith.constant 2 : i32
    %mul3A_2 = arith.muli %add3A, %mul3A_1 : i32
    tpu.enqueue_dma source(%arg3 : memref<64x128xf32, #tpu.memory_space<hbm>>) target(%arg6 : memref<64x128xf32, #tpu.memory_space<vmem>>) target_semaphore(%arg14 : memref<!tpu.dma_semaphore, #tpu.memory_space<semaphore_mem>>)
    tpu.enqueue_dma source(%arg4 : memref<128x128xf32, #tpu.memory_space<hbm>>) target(%arg7 : memref<128x128xf32, #tpu.memory_space<vmem>>) target_semaphore(%arg14 : memref<!tpu.dma_semaphore, #tpu.memory_space<semaphore_mem>>)
    %add3A_3 = arith.constant 0 : i32
    %add3A_4 = arith.addi %mul3A_2, %add3A_3 : i32
    %dma_start3A = arith.constant 0 : i32
    %dma_start3A_5 = arith.constant 0 : i32
    %dma_start3A_6 = tpu.memref_slice %arg2[%add3A_4, %dma_start3A, %dma_start3A_5] : memref<1024x128x128xf32, #tpu.memory_space<hbm>> -> memref<1x128x128xf32, #tpu.memory_space<hbm>>
    %dma_start3A_7 = tpu.memref_squeeze %dma_start3A_6 : memref<1x128x128xf32, #tpu.memory_space<hbm>> -> memref<128x128xf32, #tpu.memory_space<hbm>>
    %dma_start3A_8 = arith.constant 0 : i32
    %dma_start3A_9 = arith.constant 0 : i32
    %dma_start3A_10 = tpu.memref_slice %arg2[%add3A_4, %dma_start3A_8, %dma_start3A_9] : memref<1024x128x128xf32, #tpu.memory_space<hbm>> -> memref<1x128x128xf32, #tpu.memory_space<hbm>>
    %dma_start3A_11 = tpu.memref_squeeze %dma_start3A_10 : memref<1x128x128xf32, #tpu.memory_space<hbm>> -> memref<128x128xf32, #tpu.memory_space<hbm>>
    tpu.enqueue_dma source(%dma_start3A_11 : memref<128x128xf32, #tpu.memory_space<hbm>>) target(%arg8 : memref<128x128xf32, #tpu.memory_space<vmem>>) target_semaphore(%arg10 : memref<!tpu.dma_semaphore, #tpu.memory_space<semaphore_mem>>)
    tpu.wait_dma2 semaphore(%arg14 : memref<!tpu.dma_semaphore, #tpu.memory_space<semaphore_mem>>) src(%arg3 : memref<64x128xf32, #tpu.memory_space<hbm>>) dst(%arg6 : memref<64x128xf32, #tpu.memory_space<vmem>>)
    tpu.wait_dma2 semaphore(%arg14 : memref<!tpu.dma_semaphore, #tpu.memory_space<semaphore_mem>>) src(%arg4 : memref<128x128xf32, #tpu.memory_space<hbm>>) dst(%arg7 : memref<128x128xf32, #tpu.memory_space<vmem>>)
    %dma_wait3A = arith.constant 0 : i32
    %dma_wait3A_12 = arith.constant 0 : i32
    %dma_wait3A_13 = tpu.memref_slice %arg2[%add3A_4, %dma_wait3A, %dma_wait3A_12] : memref<1024x128x128xf32, #tpu.memory_space<hbm>> -> memref<1x128x128xf32, #tpu.memory_space<hbm>>
    %dma_wait3A_14 = tpu.memref_squeeze %dma_wait3A_13 : memref<1x128x128xf32, #tpu.memory_space<hbm>> -> memref<128x128xf32, #tpu.memory_space<hbm>>
    %dma_wait3A_15 = arith.constant 0 : i32
    %dma_wait3A_16 = arith.constant 0 : i32
    %dma_wait3A_17 = tpu.memref_slice %arg2[%add3A_4, %dma_wait3A_15, %dma_wait3A_16] : memref<1024x128x128xf32, #tpu.memory_space<hbm>> -> memref<1x128x128xf32, #tpu.memory_space<hbm>>
    %dma_wait3A_18 = tpu.memref_squeeze %dma_wait3A_17 : memref<1x128x128xf32, #tpu.memory_space<hbm>> -> memref<128x128xf32, #tpu.memory_space<hbm>>
    tpu.wait_dma2 semaphore(%arg10 : memref<!tpu.dma_semaphore, #tpu.memory_space<semaphore_mem>>) src(%dma_wait3A_18 : memref<128x128xf32, #tpu.memory_space<hbm>>) dst(%arg8 : memref<128x128xf32, #tpu.memory_space<vmem>>)
    %add3A_19 = arith.constant 0 : i32
    %add3A_20 = arith.addi %mul3A_2, %add3A_19 : i32
    %rem3A = arith.constant 64 : i32
    %rem3A_21 = arith.remsi %add3A_20, %rem3A : i32
    %get3A = arith.index_cast %rem3A_21 : i32 to index
    %get3A_22 = arith.constant 0 : index
    %get3A_23 = tpu.vector_load %arg6[%get3A, %get3A_22] {strides = array<i32>} : memref<64x128xf32, #tpu.memory_space<vmem>>, vector<1x16xf32>,
    %get3A_24 = vector.shape_cast %get3A_23 : vector<1x16xf32> to vector<16xf32>
    %get3A_25 = arith.index_cast %rem3A_21 : i32 to index
    %get3A_26 = arith.constant 16 : index
    %get3A_27 = tpu.vector_load %arg6[%get3A_25, %get3A_26] {strides = array<i32>} : memref<64x128xf32, #tpu.memory_space<vmem>>, vector<1x16xf32>,
    %get3A_28 = vector.shape_cast %get3A_27 : vector<1x16xf32> to vector<16xf32>
    %get3A_29 = arith.index_cast %rem3A_21 : i32 to index
    %get3A_30 = arith.constant 32 : index
    %get3A_31 = tpu.vector_load %arg6[%get3A_29, %get3A_30] {strides = array<i32>} : memref<64x128xf32, #tpu.memory_space<vmem>>, vector<1x16xf32>,
    %get3A_32 = vector.shape_cast %get3A_31 : vector<1x16xf32> to vector<16xf32>
    %get3A_33 = arith.index_cast %rem3A_21 : i32 to index
    %get3A_34 = arith.constant 48 : index
    %get3A_35 = tpu.vector_load %arg6[%get3A_33, %get3A_34] {strides = array<i32>} : memref<64x128xf32, #tpu.memory_space<vmem>>, vector<1x16xf32>,
    %get3A_36 = vector.shape_cast %get3A_35 : vector<1x16xf32> to vector<16xf32>
    %get3A_37 = arith.index_cast %rem3A_21 : i32 to index
    %get3A_38 = arith.constant 64 : index
    %get3A_39 = tpu.vector_load %arg6[%get3A_37, %get3A_38] {strides = array<i32>} : memref<64x128xf32, #tpu.memory_space<vmem>>, vector<1x16xf32>,
    %get3A_40 = vector.shape_cast %get3A_39 : vector<1x16xf32> to vector<16xf32>
    %get3A_41 = arith.index_cast %rem3A_21 : i32 to index
    %get3A_42 = arith.constant 80 : index
    %get3A_43 = tpu.vector_load %arg6[%get3A_41, %get3A_42] {strides = array<i32>} : memref<64x128xf32, #tpu.memory_space<vmem>>, vector<1x16xf32>,
    %get3A_44 = vector.shape_cast %get3A_43 : vector<1x16xf32> to vector<16xf32>
    %get3A_45 = arith.index_cast %rem3A_21 : i32 to index
    %get3A_46 = arith.constant 96 : index
    %get3A_47 = tpu.vector_load %arg6[%get3A_45, %get3A_46] {strides = array<i32>} : memref<64x128xf32, #tpu.memory_space<vmem>>, vector<1x16xf32>,
    %get3A_48 = vector.shape_cast %get3A_47 : vector<1x16xf32> to vector<16xf32>
    %get3A_49 = arith.index_cast %rem3A_21 : i32 to index
    %get3A_50 = arith.constant 112 : index
    %get3A_51 = tpu.vector_load %arg6[%get3A_49, %get3A_50] {strides = array<i32>} : memref<64x128xf32, #tpu.memory_space<vmem>>, vector<1x16xf32>,
    %get3A_52 = vector.shape_cast %get3A_51 : vector<1x16xf32> to vector<16xf32>
    %scan3A = arith.constant 0 : i32
    %scan3A_53 = arith.constant 64 : i32
    %scan3A_54 = arith.addi %scan3A, %scan3A_53 : i32
    %scan3A_55 = arith.constant 1 : i32
    scf.for %scan3A_148 = %scan3A to %scan3A_54 step %scan3A_55  : i32 {
      %mul3A_149 = arith.constant 2 : i32
      %mul3A_150 = arith.muli %scan3A_148, %mul3A_149 : i32
      %add3A_151 = arith.constant 0 : i32
      %add3A_152 = arith.addi %mul3A_150, %add3A_151 : i32
      %get3A_153 = arith.index_cast %add3A_152 : i32 to index
      %get3A_154 = arith.constant 0 : index
      %get3A_155 = tpu.vector_load %arg8[%get3A_153, %get3A_154] {strides = array<i32>} : memref<128x128xf32, #tpu.memory_space<vmem>>, vector<1x16xf32>,
      %get3A_156 = vector.shape_cast %get3A_155 : vector<1x16xf32> to vector<16xf32>
      %get3A_157 = arith.index_cast %add3A_152 : i32 to index
      %get3A_158 = arith.constant 0 : index
      %get3A_159 = tpu.vector_load %arg7[%get3A_157, %get3A_158] {strides = array<i32>} : memref<128x128xf32, #tpu.memory_space<vmem>>, vector<1x16xf32>,
      %get3A_160 = vector.shape_cast %get3A_159 : vector<1x16xf32> to vector<16xf32>
      %add3A_161 = arith.addf %get3A_156, %get3A_160 : vector<16xf32>
      %add3A_162 = arith.addf %add3A_161, %get3A_24 : vector<16xf32>
      %swap3A = arith.index_cast %add3A_152 : i32 to index
      %swap3A_163 = arith.constant 0 : index
      %swap3A_164 = tpu.vector_load %arg8[%swap3A, %swap3A_163] {strides = array<i32>} : memref<128x128xf32, #tpu.memory_space<vmem>>, vector<1x16xf32>,
      %swap3A_165 = vector.shape_cast %swap3A_164 : vector<1x16xf32> to vector<16xf32>
      %swap3A_166 = vector.shape_cast %add3A_162 : vector<16xf32> to vector<1x16xf32>
      tpu.vector_store %arg8[%swap3A, %swap3A_163], %swap3A_166 {strides = array<i32>} : memref<128x128xf32, #tpu.memory_space<vmem>>, vector<1x16xf32>,
      %get3A_167 = arith.index_cast %add3A_152 : i32 to index
      %get3A_168 = arith.constant 16 : index
      %get3A_169 = tpu.vector_load %arg8[%get3A_167, %get3A_168] {strides = array<i32>} : memref<128x128xf32, #tpu.memory_space<vmem>>, vector<1x16xf32>,
      %get3A_170 = vector.shape_cast %get3A_169 : vector<1x16xf32> to vector<16xf32>
      %get3A_171 = arith.index_cast %add3A_152 : i32 to index
      %get3A_172 = arith.constant 16 : index
      %get3A_173 = tpu.vector_load %arg7[%get3A_171, %get3A_172] {strides = array<i32>} : memref<128x128xf32, #tpu.memory_space<vmem>>, vector<1x16xf32>,
      %get3A_174 = vector.shape_cast %get3A_173 : vector<1x16xf32> to vector<16xf32>
      %add3A_175 = arith.addf %get3A_170, %get3A_174 : vector<16xf32>
      %add3A_176 = arith.addf %add3A_175, %get3A_28 : vector<16xf32>
      %swap3A_177 = arith.index_cast %add3A_152 : i32 to index
      %swap3A_178 = arith.constant 16 : index
      %swap3A_179 = tpu.vector_load %arg8[%swap3A_177, %swap3A_178] {strides = array<i32>} : memref<128x128xf32, #tpu.memory_space<vmem>>, vector<1x16xf32>,
      %swap3A_180 = vector.shape_cast %swap3A_179 : vector<1x16xf32> to vector<16xf32>
      %swap3A_181 = vector.shape_cast %add3A_176 : vector<16xf32> to vector<1x16xf32>
      tpu.vector_store %arg8[%swap3A_177, %swap3A_178], %swap3A_181 {strides = array<i32>} : memref<128x128xf32, #tpu.memory_space<vmem>>, vector<1x16xf32>,
      %get3A_182 = arith.index_cast %add3A_152 : i32 to index
      %get3A_183 = arith.constant 32 : index
      %get3A_184 = tpu.vector_load %arg8[%get3A_182, %get3A_183] {strides = array<i32>} : memref<128x128xf32, #tpu.memory_space<vmem>>, vector<1x16xf32>,
      %get3A_185 = vector.shape_cast %get3A_184 : vector<1x16xf32> to vector<16xf32>
      %get3A_186 = arith.index_cast %add3A_152 : i32 to index
      %get3A_187 = arith.constant 32 : index
      %get3A_188 = tpu.vector_load %arg7[%get3A_186, %get3A_187] {strides = array<i32>} : memref<128x128xf32, #tpu.memory_space<vmem>>, vector<1x16xf32>,
      %get3A_189 = vector.shape_cast %get3A_188 : vector<1x16xf32> to vector<16xf32>
      %add3A_190 = arith.addf %get3A_185, %get3A_189 : vector<16xf32>
      %add3A_191 = arith.addf %add3A_190, %get3A_32 : vector<16xf32>
      %swap3A_192 = arith.index_cast %add3A_152 : i32 to index
      %swap3A_193 = arith.constant 32 : index
      %swap3A_194 = tpu.vector_load %arg8[%swap3A_192, %swap3A_193] {strides = array<i32>} : memref<128x128xf32, #tpu.memory_space<vmem>>, vector<1x16xf32>,
      %swap3A_195 = vector.shape_cast %swap3A_194 : vector<1x16xf32> to vector<16xf32>
      %swap3A_196 = vector.shape_cast %add3A_191 : vector<16xf32> to vector<1x16xf32>
      tpu.vector_store %arg8[%swap3A_192, %swap3A_193], %swap3A_196 {strides = array<i32>} : memref<128x128xf32, #tpu.memory_space<vmem>>, vector<1x16xf32>,
      %get3A_197 = arith.index_cast %add3A_152 : i32 to index
      %get3A_198 = arith.constant 48 : index
      %get3A_199 = tpu.vector_load %arg8[%get3A_197, %get3A_198] {strides = array<i32>} : memref<128x128xf32, #tpu.memory_space<vmem>>, vector<1x16xf32>,
      %get3A_200 = vector.shape_cast %get3A_199 : vector<1x16xf32> to vector<16xf32>
      %get3A_201 = arith.index_cast %add3A_152 : i32 to index
      %get3A_202 = arith.constant 48 : index
      %get3A_203 = tpu.vector_load %arg7[%get3A_201, %get3A_202] {strides = array<i32>} : memref<128x128xf32, #tpu.memory_space<vmem>>, vector<1x16xf32>,
      %get3A_204 = vector.shape_cast %get3A_203 : vector<1x16xf32> to vector<16xf32>
      %add3A_205 = arith.addf %get3A_200, %get3A_204 : vector<16xf32>
      %add3A_206 = arith.addf %add3A_205, %get3A_36 : vector<16xf32>
      %swap3A_207 = arith.index_cast %add3A_152 : i32 to index
      %swap3A_208 = arith.constant 48 : index
      %swap3A_209 = tpu.vector_load %arg8[%swap3A_207, %swap3A_208] {strides = array<i32>} : memref<128x128xf32, #tpu.memory_space<vmem>>, vector<1x16xf32>,
      %swap3A_210 = vector.shape_cast %swap3A_209 : vector<1x16xf32> to vector<16xf32>
      %swap3A_211 = vector.shape_cast %add3A_206 : vector<16xf32> to vector<1x16xf32>
      tpu.vector_store %arg8[%swap3A_207, %swap3A_208], %swap3A_211 {strides = array<i32>} : memref<128x128xf32, #tpu.memory_space<vmem>>, vector<1x16xf32>,
      %get3A_212 = arith.index_cast %add3A_152 : i32 to index
      %get3A_213 = arith.constant 64 : index
      %get3A_214 = tpu.vector_load %arg8[%get3A_212, %get3A_213] {strides = array<i32>} : memref<128x128xf32, #tpu.memory_space<vmem>>, vector<1x16xf32>,
      %get3A_215 = vector.shape_cast %get3A_214 : vector<1x16xf32> to vector<16xf32>
      %get3A_216 = arith.index_cast %add3A_152 : i32 to index
      %get3A_217 = arith.constant 64 : index
      %get3A_218 = tpu.vector_load %arg7[%get3A_216, %get3A_217] {strides = array<i32>} : memref<128x128xf32, #tpu.memory_space<vmem>>, vector<1x16xf32>,
      %get3A_219 = vector.shape_cast %get3A_218 : vector<1x16xf32> to vector<16xf32>
      %add3A_220 = arith.addf %get3A_215, %get3A_219 : vector<16xf32>
      %add3A_221 = arith.addf %add3A_220, %get3A_40 : vector<16xf32>
      %swap3A_222 = arith.index_cast %add3A_152 : i32 to index
      %swap3A_223 = arith.constant 64 : index
      %swap3A_224 = tpu.vector_load %arg8[%swap3A_222, %swap3A_223] {strides = array<i32>} : memref<128x128xf32, #tpu.memory_space<vmem>>, vector<1x16xf32>,
      %swap3A_225 = vector.shape_cast %swap3A_224 : vector<1x16xf32> to vector<16xf32>
      %swap3A_226 = vector.shape_cast %add3A_221 : vector<16xf32> to vector<1x16xf32>
      tpu.vector_store %arg8[%swap3A_222, %swap3A_223], %swap3A_226 {strides = array<i32>} : memref<128x128xf32, #tpu.memory_space<vmem>>, vector<1x16xf32>,
      %get3A_227 = arith.index_cast %add3A_152 : i32 to index
      %get3A_228 = arith.constant 80 : index
      %get3A_229 = tpu.vector_load %arg8[%get3A_227, %get3A_228] {strides = array<i32>} : memref<128x128xf32, #tpu.memory_space<vmem>>, vector<1x16xf32>,
      %get3A_230 = vector.shape_cast %get3A_229 : vector<1x16xf32> to vector<16xf32>
      %get3A_231 = arith.index_cast %add3A_152 : i32 to index
      %get3A_232 = arith.constant 80 : index
      %get3A_233 = tpu.vector_load %arg7[%get3A_231, %get3A_232] {strides = array<i32>} : memref<128x128xf32, #tpu.memory_space<vmem>>, vector<1x16xf32>,
      %get3A_234 = vector.shape_cast %get3A_233 : vector<1x16xf32> to vector<16xf32>
      %add3A_235 = arith.addf %get3A_230, %get3A_234 : vector<16xf32>
      %add3A_236 = arith.addf %add3A_235, %get3A_44 : vector<16xf32>
      %swap3A_237 = arith.index_cast %add3A_152 : i32 to index
      %swap3A_238 = arith.constant 80 : index
      %swap3A_239 = tpu.vector_load %arg8[%swap3A_237, %swap3A_238] {strides = array<i32>} : memref<128x128xf32, #tpu.memory_space<vmem>>, vector<1x16xf32>,
      %swap3A_240 = vector.shape_cast %swap3A_239 : vector<1x16xf32> to vector<16xf32>
      %swap3A_241 = vector.shape_cast %add3A_236 : vector<16xf32> to vector<1x16xf32>
      tpu.vector_store %arg8[%swap3A_237, %swap3A_238], %swap3A_241 {strides = array<i32>} : memref<128x128xf32, #tpu.memory_space<vmem>>, vector<1x16xf32>,
      %get3A_242 = arith.index_cast %add3A_152 : i32 to index
      %get3A_243 = arith.constant 96 : index
      %get3A_244 = tpu.vector_load %arg8[%get3A_242, %get3A_243] {strides = array<i32>} : memref<128x128xf32, #tpu.memory_space<vmem>>, vector<1x16xf32>,
      %get3A_245 = vector.shape_cast %get3A_244 : vector<1x16xf32> to vector<16xf32>
      %get3A_246 = arith.index_cast %add3A_152 : i32 to index
      %get3A_247 = arith.constant 96 : index
      %get3A_248 = tpu.vector_load %arg7[%get3A_246, %get3A_247] {strides = array<i32>} : memref<128x128xf32, #tpu.memory_space<vmem>>, vector<1x16xf32>,
      %get3A_249 = vector.shape_cast %get3A_248 : vector<1x16xf32> to vector<16xf32>
      %add3A_250 = arith.addf %get3A_245, %get3A_249 : vector<16xf32>
      %add3A_251 = arith.addf %add3A_250, %get3A_48 : vector<16xf32>
      %swap3A_252 = arith.index_cast %add3A_152 : i32 to index
      %swap3A_253 = arith.constant 96 : index
      %swap3A_254 = tpu.vector_load %arg8[%swap3A_252, %swap3A_253] {strides = array<i32>} : memref<128x128xf32, #tpu.memory_space<vmem>>, vector<1x16xf32>,
      %swap3A_255 = vector.shape_cast %swap3A_254 : vector<1x16xf32> to vector<16xf32>
      %swap3A_256 = vector.shape_cast %add3A_251 : vector<16xf32> to vector<1x16xf32>
      tpu.vector_store %arg8[%swap3A_252, %swap3A_253], %swap3A_256 {strides = array<i32>} : memref<128x128xf32, #tpu.memory_space<vmem>>, vector<1x16xf32>,
      %get3A_257 = arith.index_cast %add3A_152 : i32 to index
      %get3A_258 = arith.constant 112 : index
      %get3A_259 = tpu.vector_load %arg8[%get3A_257, %get3A_258] {strides = array<i32>} : memref<128x128xf32, #tpu.memory_space<vmem>>, vector<1x16xf32>,
      %get3A_260 = vector.shape_cast %get3A_259 : vector<1x16xf32> to vector<16xf32>
      %get3A_261 = arith.index_cast %add3A_152 : i32 to index
      %get3A_262 = arith.constant 112 : index
      %get3A_263 = tpu.vector_load %arg7[%get3A_261, %get3A_262] {strides = array<i32>} : memref<128x128xf32, #tpu.memory_space<vmem>>, vector<1x16xf32>,
      %get3A_264 = vector.shape_cast %get3A_263 : vector<1x16xf32> to vector<16xf32>
      %add3A_265 = arith.addf %get3A_260, %get3A_264 : vector<16xf32>
      %add3A_266 = arith.addf %add3A_265, %get3A_52 : vector<16xf32>
      %swap3A_267 = arith.index_cast %add3A_152 : i32 to index
      %swap3A_268 = arith.constant 112 : index
      %swap3A_269 = tpu.vector_load %arg8[%swap3A_267, %swap3A_268] {strides = array<i32>} : memref<128x128xf32, #tpu.memory_space<vmem>>, vector<1x16xf32>,
      %swap3A_270 = vector.shape_cast %swap3A_269 : vector<1x16xf32> to vector<16xf32>
      %swap3A_271 = vector.shape_cast %add3A_266 : vector<16xf32> to vector<1x16xf32>
      tpu.vector_store %arg8[%swap3A_267, %swap3A_268], %swap3A_271 {strides = array<i32>} : memref<128x128xf32, #tpu.memory_space<vmem>>, vector<1x16xf32>,
      %mul3A_272 = arith.constant 2 : i32
      %mul3A_273 = arith.muli %scan3A_148, %mul3A_272 : i32
      %add3A_274 = arith.constant 1 : i32
      %add3A_275 = arith.addi %mul3A_273, %add3A_274 : i32
      %get3A_276 = arith.index_cast %add3A_275 : i32 to index
      %get3A_277 = arith.constant 0 : index
      %get3A_278 = tpu.vector_load %arg8[%get3A_276, %get3A_277] {strides = array<i32>} : memref<128x128xf32, #tpu.memory_space<vmem>>, vector<1x16xf32>,
      %get3A_279 = vector.shape_cast %get3A_278 : vector<1x16xf32> to vector<16xf32>
      %get3A_280 = arith.index_cast %add3A_275 : i32 to index
      %get3A_281 = arith.constant 0 : index
      %get3A_282 = tpu.vector_load %arg7[%get3A_280, %get3A_281] {strides = array<i32>} : memref<128x128xf32, #tpu.memory_space<vmem>>, vector<1x16xf32>,
      %get3A_283 = vector.shape_cast %get3A_282 : vector<1x16xf32> to vector<16xf32>
      %add3A_284 = arith.addf %get3A_279, %get3A_283 : vector<16xf32>
      %add3A_285 = arith.addf %add3A_284, %get3A_24 : vector<16xf32>
      %swap3A_286 = arith.index_cast %add3A_275 : i32 to index
      %swap3A_287 = arith.constant 0 : index
      %swap3A_288 = tpu.vector_load %arg8[%swap3A_286, %swap3A_287] {strides = array<i32>} : memref<128x128xf32, #tpu.memory_space<vmem>>, vector<1x16xf32>,
      %swap3A_289 = vector.shape_cast %swap3A_288 : vector<1x16xf32> to vector<16xf32>
      %swap3A_290 = vector.shape_cast %add3A_285 : vector<16xf32> to vector<1x16xf32>
      tpu.vector_store %arg8[%swap3A_286, %swap3A_287], %swap3A_290 {strides = array<i32>} : memref<128x128xf32, #tpu.memory_space<vmem>>, vector<1x16xf32>,
      %get3A_291 = arith.index_cast %add3A_275 : i32 to index
      %get3A_292 = arith.constant 16 : index
      %get3A_293 = tpu.vector_load %arg8[%get3A_291, %get3A_292] {strides = array<i32>} : memref<128x128xf32, #tpu.memory_space<vmem>>, vector<1x16xf32>,
      %get3A_294 = vector.shape_cast %get3A_293 : vector<1x16xf32> to vector<16xf32>
      %get3A_295 = arith.index_cast %add3A_275 : i32 to index
      %get3A_296 = arith.constant 16 : index
      %get3A_297 = tpu.vector_load %arg7[%get3A_295, %get3A_296] {strides = array<i32>} : memref<128x128xf32, #tpu.memory_space<vmem>>, vector<1x16xf32>,
      %get3A_298 = vector.shape_cast %get3A_297 : vector<1x16xf32> to vector<16xf32>
      %add3A_299 = arith.addf %get3A_294, %get3A_298 : vector<16xf32>
      %add3A_300 = arith.addf %add3A_299, %get3A_28 : vector<16xf32>
      %swap3A_301 = arith.index_cast %add3A_275 : i32 to index
      %swap3A_302 = arith.constant 16 : index
      %swap3A_303 = tpu.vector_load %arg8[%swap3A_301, %swap3A_302] {strides = array<i32>} : memref<128x128xf32, #tpu.memory_space<vmem>>, vector<1x16xf32>,
      %swap3A_304 = vector.shape_cast %swap3A_303 : vector<1x16xf32> to vector<16xf32>
      %swap3A_305 = vector.shape_cast %add3A_300 : vector<16xf32> to vector<1x16xf32>
      tpu.vector_store %arg8[%swap3A_301, %swap3A_302], %swap3A_305 {strides = array<i32>} : memref<128x128xf32, #tpu.memory_space<vmem>>, vector<1x16xf32>,
      %get3A_306 = arith.index_cast %add3A_275 : i32 to index
      %get3A_307 = arith.constant 32 : index
      %get3A_308 = tpu.vector_load %arg8[%get3A_306, %get3A_307] {strides = array<i32>} : memref<128x128xf32, #tpu.memory_space<vmem>>, vector<1x16xf32>,
      %get3A_309 = vector.shape_cast %get3A_308 : vector<1x16xf32> to vector<16xf32>
      %get3A_310 = arith.index_cast %add3A_275 : i32 to index
      %get3A_311 = arith.constant 32 : index
      %get3A_312 = tpu.vector_load %arg7[%get3A_310, %get3A_311] {strides = array<i32>} : memref<128x128xf32, #tpu.memory_space<vmem>>, vector<1x16xf32>,
      %get3A_313 = vector.shape_cast %get3A_312 : vector<1x16xf32> to vector<16xf32>
      %add3A_314 = arith.addf %get3A_309, %get3A_313 : vector<16xf32>
      %add3A_315 = arith.addf %add3A_314, %get3A_32 : vector<16xf32>
      %swap3A_316 = arith.index_cast %add3A_275 : i32 to index
      %swap3A_317 = arith.constant 32 : index
      %swap3A_318 = tpu.vector_load %arg8[%swap3A_316, %swap3A_317] {strides = array<i32>} : memref<128x128xf32, #tpu.memory_space<vmem>>, vector<1x16xf32>,
      %swap3A_319 = vector.shape_cast %swap3A_318 : vector<1x16xf32> to vector<16xf32>
      %swap3A_320 = vector.shape_cast %add3A_315 : vector<16xf32> to vector<1x16xf32>
      tpu.vector_store %arg8[%swap3A_316, %swap3A_317], %swap3A_320 {strides = array<i32>} : memref<128x128xf32, #tpu.memory_space<vmem>>, vector<1x16xf32>,
      %get3A_321 = arith.index_cast %add3A_275 : i32 to index
      %get3A_322 = arith.constant 48 : index
      %get3A_323 = tpu.vector_load %arg8[%get3A_321, %get3A_322] {strides = array<i32>} : memref<128x128xf32, #tpu.memory_space<vmem>>, vector<1x16xf32>,
      %get3A_324 = vector.shape_cast %get3A_323 : vector<1x16xf32> to vector<16xf32>
      %get3A_325 = arith.index_cast %add3A_275 : i32 to index
      %get3A_326 = arith.constant 48 : index
      %get3A_327 = tpu.vector_load %arg7[%get3A_325, %get3A_326] {strides = array<i32>} : memref<128x128xf32, #tpu.memory_space<vmem>>, vector<1x16xf32>,
      %get3A_328 = vector.shape_cast %get3A_327 : vector<1x16xf32> to vector<16xf32>
      %add3A_329 = arith.addf %get3A_324, %get3A_328 : vector<16xf32>
      %add3A_330 = arith.addf %add3A_329, %get3A_36 : vector<16xf32>
      %swap3A_331 = arith.index_cast %add3A_275 : i32 to index
      %swap3A_332 = arith.constant 48 : index
      %swap3A_333 = tpu.vector_load %arg8[%swap3A_331, %swap3A_332] {strides = array<i32>} : memref<128x128xf32, #tpu.memory_space<vmem>>, vector<1x16xf32>,
      %swap3A_334 = vector.shape_cast %swap3A_333 : vector<1x16xf32> to vector<16xf32>
      %swap3A_335 = vector.shape_cast %add3A_330 : vector<16xf32> to vector<1x16xf32>
      tpu.vector_store %arg8[%swap3A_331, %swap3A_332], %swap3A_335 {strides = array<i32>} : memref<128x128xf32, #tpu.memory_space<vmem>>, vector<1x16xf32>,
      %get3A_336 = arith.index_cast %add3A_275 : i32 to index
      %get3A_337 = arith.constant 64 : index
      %get3A_338 = tpu.vector_load %arg8[%get3A_336, %get3A_337] {strides = array<i32>} : memref<128x128xf32, #tpu.memory_space<vmem>>, vector<1x16xf32>,
      %get3A_339 = vector.shape_cast %get3A_338 : vector<1x16xf32> to vector<16xf32>
      %get3A_340 = arith.index_cast %add3A_275 : i32 to index
      %get3A_341 = arith.constant 64 : index
      %get3A_342 = tpu.vector_load %arg7[%get3A_340, %get3A_341] {strides = array<i32>} : memref<128x128xf32, #tpu.memory_space<vmem>>, vector<1x16xf32>,
      %get3A_343 = vector.shape_cast %get3A_342 : vector<1x16xf32> to vector<16xf32>
      %add3A_344 = arith.addf %get3A_339, %get3A_343 : vector<16xf32>
      %add3A_345 = arith.addf %add3A_344, %get3A_40 : vector<16xf32>
      %swap3A_346 = arith.index_cast %add3A_275 : i32 to index
      %swap3A_347 = arith.constant 64 : index
      %swap3A_348 = tpu.vector_load %arg8[%swap3A_346, %swap3A_347] {strides = array<i32>} : memref<128x128xf32, #tpu.memory_space<vmem>>, vector<1x16xf32>,
      %swap3A_349 = vector.shape_cast %swap3A_348 : vector<1x16xf32> to vector<16xf32>
      %swap3A_350 = vector.shape_cast %add3A_345 : vector<16xf32> to vector<1x16xf32>
      tpu.vector_store %arg8[%swap3A_346, %swap3A_347], %swap3A_350 {strides = array<i32>} : memref<128x128xf32, #tpu.memory_space<vmem>>, vector<1x16xf32>,
      %get3A_351 = arith.index_cast %add3A_275 : i32 to index
      %get3A_352 = arith.constant 80 : index
      %get3A_353 = tpu.vector_load %arg8[%get3A_351, %get3A_352] {strides = array<i32>} : memref<128x128xf32, #tpu.memory_space<vmem>>, vector<1x16xf32>,
      %get3A_354 = vector.shape_cast %get3A_353 : vector<1x16xf32> to vector<16xf32>
      %get3A_355 = arith.index_cast %add3A_275 : i32 to index
      %get3A_356 = arith.constant 80 : index
      %get3A_357 = tpu.vector_load %arg7[%get3A_355, %get3A_356] {strides = array<i32>} : memref<128x128xf32, #tpu.memory_space<vmem>>, vector<1x16xf32>,
      %get3A_358 = vector.shape_cast %get3A_357 : vector<1x16xf32> to vector<16xf32>
      %add3A_359 = arith.addf %get3A_354, %get3A_358 : vector<16xf32>
      %add3A_360 = arith.addf %add3A_359, %get3A_44 : vector<16xf32>
      %swap3A_361 = arith.index_cast %add3A_275 : i32 to index
      %swap3A_362 = arith.constant 80 : index
      %swap3A_363 = tpu.vector_load %arg8[%swap3A_361, %swap3A_362] {strides = array<i32>} : memref<128x128xf32, #tpu.memory_space<vmem>>, vector<1x16xf32>,
      %swap3A_364 = vector.shape_cast %swap3A_363 : vector<1x16xf32> to vector<16xf32>
      %swap3A_365 = vector.shape_cast %add3A_360 : vector<16xf32> to vector<1x16xf32>
      tpu.vector_store %arg8[%swap3A_361, %swap3A_362], %swap3A_365 {strides = array<i32>} : memref<128x128xf32, #tpu.memory_space<vmem>>, vector<1x16xf32>,
      %get3A_366 = arith.index_cast %add3A_275 : i32 to index
      %get3A_367 = arith.constant 96 : index
      %get3A_368 = tpu.vector_load %arg8[%get3A_366, %get3A_367] {strides = array<i32>} : memref<128x128xf32, #tpu.memory_space<vmem>>, vector<1x16xf32>,
      %get3A_369 = vector.shape_cast %get3A_368 : vector<1x16xf32> to vector<16xf32>
      %get3A_370 = arith.index_cast %add3A_275 : i32 to index
      %get3A_371 = arith.constant 96 : index
      %get3A_372 = tpu.vector_load %arg7[%get3A_370, %get3A_371] {strides = array<i32>} : memref<128x128xf32, #tpu.memory_space<vmem>>, vector<1x16xf32>,
      %get3A_373 = vector.shape_cast %get3A_372 : vector<1x16xf32> to vector<16xf32>
      %add3A_374 = arith.addf %get3A_369, %get3A_373 : vector<16xf32>
      %add3A_375 = arith.addf %add3A_374, %get3A_48 : vector<16xf32>
      %swap3A_376 = arith.index_cast %add3A_275 : i32 to index
      %swap3A_377 = arith.constant 96 : index
      %swap3A_378 = tpu.vector_load %arg8[%swap3A_376, %swap3A_377] {strides = array<i32>} : memref<128x128xf32, #tpu.memory_space<vmem>>, vector<1x16xf32>,
      %swap3A_379 = vector.shape_cast %swap3A_378 : vector<1x16xf32> to vector<16xf32>
      %swap3A_380 = vector.shape_cast %add3A_375 : vector<16xf32> to vector<1x16xf32>
      tpu.vector_store %arg8[%swap3A_376, %swap3A_377], %swap3A_380 {strides = array<i32>} : memref<128x128xf32, #tpu.memory_space<vmem>>, vector<1x16xf32>,
      %get3A_381 = arith.index_cast %add3A_275 : i32 to index
      %get3A_382 = arith.constant 112 : index
      %get3A_383 = tpu.vector_load %arg8[%get3A_381, %get3A_382] {strides = array<i32>} : memref<128x128xf32, #tpu.memory_space<vmem>>, vector<1x16xf32>,
      %get3A_384 = vector.shape_cast %get3A_383 : vector<1x16xf32> to vector<16xf32>
      %get3A_385 = arith.index_cast %add3A_275 : i32 to index
      %get3A_386 = arith.constant 112 : index
      %get3A_387 = tpu.vector_load %arg7[%get3A_385, %get3A_386] {strides = array<i32>} : memref<128x128xf32, #tpu.memory_space<vmem>>, vector<1x16xf32>,
      %get3A_388 = vector.shape_cast %get3A_387 : vector<1x16xf32> to vector<16xf32>
      %add3A_389 = arith.addf %get3A_384, %get3A_388 : vector<16xf32>
      %add3A_390 = arith.addf %add3A_389, %get3A_52 : vector<16xf32>
      %swap3A_391 = arith.index_cast %add3A_275 : i32 to index
      %swap3A_392 = arith.constant 112 : index
      %swap3A_393 = tpu.vector_load %arg8[%swap3A_391, %swap3A_392] {strides = array<i32>} : memref<128x128xf32, #tpu.memory_space<vmem>>, vector<1x16xf32>,
      %swap3A_394 = vector.shape_cast %swap3A_393 : vector<1x16xf32> to vector<16xf32>
      %swap3A_395 = vector.shape_cast %add3A_390 : vector<16xf32> to vector<1x16xf32>
      tpu.vector_store %arg8[%swap3A_391, %swap3A_392], %swap3A_395 {strides = array<i32>} : memref<128x128xf32, #tpu.memory_space<vmem>>, vector<1x16xf32>,
    }
    %scan3A_56 = arith.constant 64 : i32
    %dma_start3A_57 = arith.constant 0 : i32
    %dma_start3A_58 = arith.constant 0 : i32
    %dma_start3A_59 = tpu.memref_slice %arg5[%add3A_20, %dma_start3A_57, %dma_start3A_58] : memref<64x128x128xf32, #tpu.memory_space<hbm>> -> memref<1x128x128xf32, #tpu.memory_space<hbm>>
    %dma_start3A_60 = tpu.memref_squeeze %dma_start3A_59 : memref<1x128x128xf32, #tpu.memory_space<hbm>> -> memref<128x128xf32, #tpu.memory_space<hbm>>
    %dma_start3A_61 = arith.constant 0 : i32
    %dma_start3A_62 = arith.constant 0 : i32
    %dma_start3A_63 = tpu.memref_slice %arg5[%add3A_20, %dma_start3A_61, %dma_start3A_62] : memref<64x128x128xf32, #tpu.memory_space<hbm>> -> memref<1x128x128xf32, #tpu.memory_space<hbm>>
    %dma_start3A_64 = tpu.memref_squeeze %dma_start3A_63 : memref<1x128x128xf32, #tpu.memory_space<hbm>> -> memref<128x128xf32, #tpu.memory_space<hbm>>
    tpu.enqueue_dma source(%arg8 : memref<128x128xf32, #tpu.memory_space<vmem>>) target(%dma_start3A_64 : memref<128x128xf32, #tpu.memory_space<hbm>>) target_semaphore(%arg12 : memref<!tpu.dma_semaphore, #tpu.memory_space<semaphore_mem>>)
    %add3A_65 = arith.constant 1 : i32
    %add3A_66 = arith.addi %mul3A_2, %add3A_65 : i32
    %dma_start3A_67 = arith.constant 0 : i32
    %dma_start3A_68 = arith.constant 0 : i32
    %dma_start3A_69 = tpu.memref_slice %arg2[%add3A_66, %dma_start3A_67, %dma_start3A_68] : memref<1024x128x128xf32, #tpu.memory_space<hbm>> -> memref<1x128x128xf32, #tpu.memory_space<hbm>>
    %dma_start3A_70 = tpu.memref_squeeze %dma_start3A_69 : memref<1x128x128xf32, #tpu.memory_space<hbm>> -> memref<128x128xf32, #tpu.memory_space<hbm>>
    %dma_start3A_71 = arith.constant 0 : i32
    %dma_start3A_72 = arith.constant 0 : i32
    %dma_start3A_73 = tpu.memref_slice %arg2[%add3A_66, %dma_start3A_71, %dma_start3A_72] : memref<1024x128x128xf32, #tpu.memory_space<hbm>> -> memref<1x128x128xf32, #tpu.memory_space<hbm>>
    %dma_start3A_74 = tpu.memref_squeeze %dma_start3A_73 : memref<1x128x128xf32, #tpu.memory_space<hbm>> -> memref<128x128xf32, #tpu.memory_space<hbm>>
    tpu.enqueue_dma source(%dma_start3A_74 : memref<128x128xf32, #tpu.memory_space<hbm>>) target(%arg9 : memref<128x128xf32, #tpu.memory_space<vmem>>) target_semaphore(%arg11 : memref<!tpu.dma_semaphore, #tpu.memory_space<semaphore_mem>>)
    %dma_wait3A_75 = arith.constant 0 : i32
    %dma_wait3A_76 = arith.constant 0 : i32
    %dma_wait3A_77 = tpu.memref_slice %arg2[%add3A_66, %dma_wait3A_75, %dma_wait3A_76] : memref<1024x128x128xf32, #tpu.memory_space<hbm>> -> memref<1x128x128xf32, #tpu.memory_space<hbm>>
    %dma_wait3A_78 = tpu.memref_squeeze %dma_wait3A_77 : memref<1x128x128xf32, #tpu.memory_space<hbm>> -> memref<128x128xf32, #tpu.memory_space<hbm>>
    %dma_wait3A_79 = arith.constant 0 : i32
    %dma_wait3A_80 = arith.constant 0 : i32
    %dma_wait3A_81 = tpu.memref_slice %arg2[%add3A_66, %dma_wait3A_79, %dma_wait3A_80] : memref<1024x128x128xf32, #tpu.memory_space<hbm>> -> memref<1x128x128xf32, #tpu.memory_space<hbm>>
    %dma_wait3A_82 = tpu.memref_squeeze %dma_wait3A_81 : memref<1x128x128xf32, #tpu.memory_space<hbm>> -> memref<128x128xf32, #tpu.memory_space<hbm>>
    tpu.wait_dma2 semaphore(%arg11 : memref<!tpu.dma_semaphore, #tpu.memory_space<semaphore_mem>>) src(%dma_wait3A_82 : memref<128x128xf32, #tpu.memory_space<hbm>>) dst(%arg9 : memref<128x128xf32, #tpu.memory_space<vmem>>)
    %add3A_83 = arith.constant 1 : i32
    %add3A_84 = arith.addi %mul3A_2, %add3A_83 : i32
    %rem3A_85 = arith.constant 64 : i32
    %rem3A_86 = arith.remsi %add3A_84, %rem3A_85 : i32
    %get3A_87 = arith.index_cast %rem3A_86 : i32 to index
    %get3A_88 = arith.constant 0 : index
    %get3A_89 = tpu.vector_load %arg6[%get3A_87, %get3A_88] {strides = array<i32>} : memref<64x128xf32, #tpu.memory_space<vmem>>, vector<1x16xf32>,
    %get3A_90 = vector.shape_cast %get3A_89 : vector<1x16xf32> to vector<16xf32>
    %get3A_91 = arith.index_cast %rem3A_86 : i32 to index
    %get3A_92 = arith.constant 16 : index
    %get3A_93 = tpu.vector_load %arg6[%get3A_91, %get3A_92] {strides = array<i32>} : memref<64x128xf32, #tpu.memory_space<vmem>>, vector<1x16xf32>,
    %get3A_94 = vector.shape_cast %get3A_93 : vector<1x16xf32> to vector<16xf32>
    %get3A_95 = arith.index_cast %rem3A_86 : i32 to index
    %get3A_96 = arith.constant 32 : index
    %get3A_97 = tpu.vector_load %arg6[%get3A_95, %get3A_96] {strides = array<i32>} : memref<64x128xf32, #tpu.memory_space<vmem>>, vector<1x16xf32>,
    %get3A_98 = vector.shape_cast %get3A_97 : vector<1x16xf32> to vector<16xf32>
    %get3A_99 = arith.index_cast %rem3A_86 : i32 to index
    %get3A_100 = arith.constant 48 : index
    %get3A_101 = tpu.vector_load %arg6[%get3A_99, %get3A_100] {strides = array<i32>} : memref<64x128xf32, #tpu.memory_space<vmem>>, vector<1x16xf32>,
    %get3A_102 = vector.shape_cast %get3A_101 : vector<1x16xf32> to vector<16xf32>
    %get3A_103 = arith.index_cast %rem3A_86 : i32 to index
    %get3A_104 = arith.constant 64 : index
    %get3A_105 = tpu.vector_load %arg6[%get3A_103, %get3A_104] {strides = array<i32>} : memref<64x128xf32, #tpu.memory_space<vmem>>, vector<1x16xf32>,
    %get3A_106 = vector.shape_cast %get3A_105 : vector<1x16xf32> to vector<16xf32>
    %get3A_107 = arith.index_cast %rem3A_86 : i32 to index
    %get3A_108 = arith.constant 80 : index
    %get3A_109 = tpu.vector_load %arg6[%get3A_107, %get3A_108] {strides = array<i32>} : memref<64x128xf32, #tpu.memory_space<vmem>>, vector<1x16xf32>,
    %get3A_110 = vector.shape_cast %get3A_109 : vector<1x16xf32> to vector<16xf32>
    %get3A_111 = arith.index_cast %rem3A_86 : i32 to index
    %get3A_112 = arith.constant 96 : index
    %get3A_113 = tpu.vector_load %arg6[%get3A_111, %get3A_112] {strides = array<i32>} : memref<64x128xf32, #tpu.memory_space<vmem>>, vector<1x16xf32>,
    %get3A_114 = vector.shape_cast %get3A_113 : vector<1x16xf32> to vector<16xf32>
    %get3A_115 = arith.index_cast %rem3A_86 : i32 to index
    %get3A_116 = arith.constant 112 : index
    %get3A_117 = tpu.vector_load %arg6[%get3A_115, %get3A_116] {strides = array<i32>} : memref<64x128xf32, #tpu.memory_space<vmem>>, vector<1x16xf32>,
    %get3A_118 = vector.shape_cast %get3A_117 : vector<1x16xf32> to vector<16xf32>
    %scan3A_119 = arith.constant 0 : i32
    %scan3A_120 = arith.constant 64 : i32
    %scan3A_121 = arith.addi %scan3A_119, %scan3A_120 : i32
    %scan3A_122 = arith.constant 1 : i32
    scf.for %scan3A_148 = %scan3A_119 to %scan3A_121 step %scan3A_122  : i32 {
      %mul3A_149 = arith.constant 2 : i32
      %mul3A_150 = arith.muli %scan3A_148, %mul3A_149 : i32
      %add3A_151 = arith.constant 0 : i32
      %add3A_152 = arith.addi %mul3A_150, %add3A_151 : i32
      %get3A_153 = arith.index_cast %add3A_152 : i32 to index
      %get3A_154 = arith.constant 0 : index
      %get3A_155 = tpu.vector_load %arg9[%get3A_153, %get3A_154] {strides = array<i32>} : memref<128x128xf32, #tpu.memory_space<vmem>>, vector<1x16xf32>,
      %get3A_156 = vector.shape_cast %get3A_155 : vector<1x16xf32> to vector<16xf32>
      %get3A_157 = arith.index_cast %add3A_152 : i32 to index
      %get3A_158 = arith.constant 0 : index
      %get3A_159 = tpu.vector_load %arg7[%get3A_157, %get3A_158] {strides = array<i32>} : memref<128x128xf32, #tpu.memory_space<vmem>>, vector<1x16xf32>,
      %get3A_160 = vector.shape_cast %get3A_159 : vector<1x16xf32> to vector<16xf32>
      %add3A_161 = arith.addf %get3A_156, %get3A_160 : vector<16xf32>
      %add3A_162 = arith.addf %add3A_161, %get3A_90 : vector<16xf32>
      %swap3A = arith.index_cast %add3A_152 : i32 to index
      %swap3A_163 = arith.constant 0 : index
      %swap3A_164 = tpu.vector_load %arg9[%swap3A, %swap3A_163] {strides = array<i32>} : memref<128x128xf32, #tpu.memory_space<vmem>>, vector<1x16xf32>,
      %swap3A_165 = vector.shape_cast %swap3A_164 : vector<1x16xf32> to vector<16xf32>
      %swap3A_166 = vector.shape_cast %add3A_162 : vector<16xf32> to vector<1x16xf32>
      tpu.vector_store %arg9[%swap3A, %swap3A_163], %swap3A_166 {strides = array<i32>} : memref<128x128xf32, #tpu.memory_space<vmem>>, vector<1x16xf32>,
      %get3A_167 = arith.index_cast %add3A_152 : i32 to index
      %get3A_168 = arith.constant 16 : index
      %get3A_169 = tpu.vector_load %arg9[%get3A_167, %get3A_168] {strides = array<i32>} : memref<128x128xf32, #tpu.memory_space<vmem>>, vector<1x16xf32>,
      %get3A_170 = vector.shape_cast %get3A_169 : vector<1x16xf32> to vector<16xf32>
      %get3A_171 = arith.index_cast %add3A_152 : i32 to index
      %get3A_172 = arith.constant 16 : index
      %get3A_173 = tpu.vector_load %arg7[%get3A_171, %get3A_172] {strides = array<i32>} : memref<128x128xf32, #tpu.memory_space<vmem>>, vector<1x16xf32>,
      %get3A_174 = vector.shape_cast %get3A_173 : vector<1x16xf32> to vector<16xf32>
      %add3A_175 = arith.addf %get3A_170, %get3A_174 : vector<16xf32>
      %add3A_176 = arith.addf %add3A_175, %get3A_94 : vector<16xf32>
      %swap3A_177 = arith.index_cast %add3A_152 : i32 to index
      %swap3A_178 = arith.constant 16 : index
      %swap3A_179 = tpu.vector_load %arg9[%swap3A_177, %swap3A_178] {strides = array<i32>} : memref<128x128xf32, #tpu.memory_space<vmem>>, vector<1x16xf32>,
      %swap3A_180 = vector.shape_cast %swap3A_179 : vector<1x16xf32> to vector<16xf32>
      %swap3A_181 = vector.shape_cast %add3A_176 : vector<16xf32> to vector<1x16xf32>
      tpu.vector_store %arg9[%swap3A_177, %swap3A_178], %swap3A_181 {strides = array<i32>} : memref<128x128xf32, #tpu.memory_space<vmem>>, vector<1x16xf32>,
      %get3A_182 = arith.index_cast %add3A_152 : i32 to index
      %get3A_183 = arith.constant 32 : index
      %get3A_184 = tpu.vector_load %arg9[%get3A_182, %get3A_183] {strides = array<i32>} : memref<128x128xf32, #tpu.memory_space<vmem>>, vector<1x16xf32>,
      %get3A_185 = vector.shape_cast %get3A_184 : vector<1x16xf32> to vector<16xf32>
      %get3A_186 = arith.index_cast %add3A_152 : i32 to index
      %get3A_187 = arith.constant 32 : index
      %get3A_188 = tpu.vector_load %arg7[%get3A_186, %get3A_187] {strides = array<i32>} : memref<128x128xf32, #tpu.memory_space<vmem>>, vector<1x16xf32>,
      %get3A_189 = vector.shape_cast %get3A_188 : vector<1x16xf32> to vector<16xf32>
      %add3A_190 = arith.addf %get3A_185, %get3A_189 : vector<16xf32>
      %add3A_191 = arith.addf %add3A_190, %get3A_98 : vector<16xf32>
      %swap3A_192 = arith.index_cast %add3A_152 : i32 to index
      %swap3A_193 = arith.constant 32 : index
      %swap3A_194 = tpu.vector_load %arg9[%swap3A_192, %swap3A_193] {strides = array<i32>} : memref<128x128xf32, #tpu.memory_space<vmem>>, vector<1x16xf32>,
      %swap3A_195 = vector.shape_cast %swap3A_194 : vector<1x16xf32> to vector<16xf32>
      %swap3A_196 = vector.shape_cast %add3A_191 : vector<16xf32> to vector<1x16xf32>
      tpu.vector_store %arg9[%swap3A_192, %swap3A_193], %swap3A_196 {strides = array<i32>} : memref<128x128xf32, #tpu.memory_space<vmem>>, vector<1x16xf32>,
      %get3A_197 = arith.index_cast %add3A_152 : i32 to index
      %get3A_198 = arith.constant 48 : index
      %get3A_199 = tpu.vector_load %arg9[%get3A_197, %get3A_198] {strides = array<i32>} : memref<128x128xf32, #tpu.memory_space<vmem>>, vector<1x16xf32>,
      %get3A_200 = vector.shape_cast %get3A_199 : vector<1x16xf32> to vector<16xf32>
      %get3A_201 = arith.index_cast %add3A_152 : i32 to index
      %get3A_202 = arith.constant 48 : index
      %get3A_203 = tpu.vector_load %arg7[%get3A_201, %get3A_202] {strides = array<i32>} : memref<128x128xf32, #tpu.memory_space<vmem>>, vector<1x16xf32>,
      %get3A_204 = vector.shape_cast %get3A_203 : vector<1x16xf32> to vector<16xf32>
      %add3A_205 = arith.addf %get3A_200, %get3A_204 : vector<16xf32>
      %add3A_206 = arith.addf %add3A_205, %get3A_102 : vector<16xf32>
      %swap3A_207 = arith.index_cast %add3A_152 : i32 to index
      %swap3A_208 = arith.constant 48 : index
      %swap3A_209 = tpu.vector_load %arg9[%swap3A_207, %swap3A_208] {strides = array<i32>} : memref<128x128xf32, #tpu.memory_space<vmem>>, vector<1x16xf32>,
      %swap3A_210 = vector.shape_cast %swap3A_209 : vector<1x16xf32> to vector<16xf32>
      %swap3A_211 = vector.shape_cast %add3A_206 : vector<16xf32> to vector<1x16xf32>
      tpu.vector_store %arg9[%swap3A_207, %swap3A_208], %swap3A_211 {strides = array<i32>} : memref<128x128xf32, #tpu.memory_space<vmem>>, vector<1x16xf32>,
      %get3A_212 = arith.index_cast %add3A_152 : i32 to index
      %get3A_213 = arith.constant 64 : index
      %get3A_214 = tpu.vector_load %arg9[%get3A_212, %get3A_213] {strides = array<i32>} : memref<128x128xf32, #tpu.memory_space<vmem>>, vector<1x16xf32>,
      %get3A_215 = vector.shape_cast %get3A_214 : vector<1x16xf32> to vector<16xf32>
      %get3A_216 = arith.index_cast %add3A_152 : i32 to index
      %get3A_217 = arith.constant 64 : index
      %get3A_218 = tpu.vector_load %arg7[%get3A_216, %get3A_217] {strides = array<i32>} : memref<128x128xf32, #tpu.memory_space<vmem>>, vector<1x16xf32>,
      %get3A_219 = vector.shape_cast %get3A_218 : vector<1x16xf32> to vector<16xf32>
      %add3A_220 = arith.addf %get3A_215, %get3A_219 : vector<16xf32>
      %add3A_221 = arith.addf %add3A_220, %get3A_106 : vector<16xf32>
      %swap3A_222 = arith.index_cast %add3A_152 : i32 to index
      %swap3A_223 = arith.constant 64 : index
      %swap3A_224 = tpu.vector_load %arg9[%swap3A_222, %swap3A_223] {strides = array<i32>} : memref<128x128xf32, #tpu.memory_space<vmem>>, vector<1x16xf32>,
      %swap3A_225 = vector.shape_cast %swap3A_224 : vector<1x16xf32> to vector<16xf32>
      %swap3A_226 = vector.shape_cast %add3A_221 : vector<16xf32> to vector<1x16xf32>
      tpu.vector_store %arg9[%swap3A_222, %swap3A_223], %swap3A_226 {strides = array<i32>} : memref<128x128xf32, #tpu.memory_space<vmem>>, vector<1x16xf32>,
      %get3A_227 = arith.index_cast %add3A_152 : i32 to index
      %get3A_228 = arith.constant 80 : index
      %get3A_229 = tpu.vector_load %arg9[%get3A_227, %get3A_228] {strides = array<i32>} : memref<128x128xf32, #tpu.memory_space<vmem>>, vector<1x16xf32>,
      %get3A_230 = vector.shape_cast %get3A_229 : vector<1x16xf32> to vector<16xf32>
      %get3A_231 = arith.index_cast %add3A_152 : i32 to index
      %get3A_232 = arith.constant 80 : index
      %get3A_233 = tpu.vector_load %arg7[%get3A_231, %get3A_232] {strides = array<i32>} : memref<128x128xf32, #tpu.memory_space<vmem>>, vector<1x16xf32>,
      %get3A_234 = vector.shape_cast %get3A_233 : vector<1x16xf32> to vector<16xf32>
      %add3A_235 = arith.addf %get3A_230, %get3A_234 : vector<16xf32>
      %add3A_236 = arith.addf %add3A_235, %get3A_110 : vector<16xf32>
      %swap3A_237 = arith.index_cast %add3A_152 : i32 to index
      %swap3A_238 = arith.constant 80 : index
      %swap3A_239 = tpu.vector_load %arg9[%swap3A_237, %swap3A_238] {strides = array<i32>} : memref<128x128xf32, #tpu.memory_space<vmem>>, vector<1x16xf32>,
      %swap3A_240 = vector.shape_cast %swap3A_239 : vector<1x16xf32> to vector<16xf32>
      %swap3A_241 = vector.shape_cast %add3A_236 : vector<16xf32> to vector<1x16xf32>
      tpu.vector_store %arg9[%swap3A_237, %swap3A_238], %swap3A_241 {strides = array<i32>} : memref<128x128xf32, #tpu.memory_space<vmem>>, vector<1x16xf32>,
      %get3A_242 = arith.index_cast %add3A_152 : i32 to index
      %get3A_243 = arith.constant 96 : index
      %get3A_244 = tpu.vector_load %arg9[%get3A_242, %get3A_243] {strides = array<i32>} : memref<128x128xf32, #tpu.memory_space<vmem>>, vector<1x16xf32>,
      %get3A_245 = vector.shape_cast %get3A_244 : vector<1x16xf32> to vector<16xf32>
      %get3A_246 = arith.index_cast %add3A_152 : i32 to index
      %get3A_247 = arith.constant 96 : index
      %get3A_248 = tpu.vector_load %arg7[%get3A_246, %get3A_247] {strides = array<i32>} : memref<128x128xf32, #tpu.memory_space<vmem>>, vector<1x16xf32>,
      %get3A_249 = vector.shape_cast %get3A_248 : vector<1x16xf32> to vector<16xf32>
      %add3A_250 = arith.addf %get3A_245, %get3A_249 : vector<16xf32>
      %add3A_251 = arith.addf %add3A_250, %get3A_114 : vector<16xf32>
      %swap3A_252 = arith.index_cast %add3A_152 : i32 to index
      %swap3A_253 = arith.constant 96 : index
      %swap3A_254 = tpu.vector_load %arg9[%swap3A_252, %swap3A_253] {strides = array<i32>} : memref<128x128xf32, #tpu.memory_space<vmem>>, vector<1x16xf32>,
      %swap3A_255 = vector.shape_cast %swap3A_254 : vector<1x16xf32> to vector<16xf32>
      %swap3A_256 = vector.shape_cast %add3A_251 : vector<16xf32> to vector<1x16xf32>
      tpu.vector_store %arg9[%swap3A_252, %swap3A_253], %swap3A_256 {strides = array<i32>} : memref<128x128xf32, #tpu.memory_space<vmem>>, vector<1x16xf32>,
      %get3A_257 = arith.index_cast %add3A_152 : i32 to index
      %get3A_258 = arith.constant 112 : index
      %get3A_259 = tpu.vector_load %arg9[%get3A_257, %get3A_258] {strides = array<i32>} : memref<128x128xf32, #tpu.memory_space<vmem>>, vector<1x16xf32>,
      %get3A_260 = vector.shape_cast %get3A_259 : vector<1x16xf32> to vector<16xf32>
      %get3A_261 = arith.index_cast %add3A_152 : i32 to index
      %get3A_262 = arith.constant 112 : index
      %get3A_263 = tpu.vector_load %arg7[%get3A_261, %get3A_262] {strides = array<i32>} : memref<128x128xf32, #tpu.memory_space<vmem>>, vector<1x16xf32>,
      %get3A_264 = vector.shape_cast %get3A_263 : vector<1x16xf32> to vector<16xf32>
      %add3A_265 = arith.addf %get3A_260, %get3A_264 : vector<16xf32>
      %add3A_266 = arith.addf %add3A_265, %get3A_118 : vector<16xf32>
      %swap3A_267 = arith.index_cast %add3A_152 : i32 to index
      %swap3A_268 = arith.constant 112 : index
      %swap3A_269 = tpu.vector_load %arg9[%swap3A_267, %swap3A_268] {strides = array<i32>} : memref<128x128xf32, #tpu.memory_space<vmem>>, vector<1x16xf32>,
      %swap3A_270 = vector.shape_cast %swap3A_269 : vector<1x16xf32> to vector<16xf32>
      %swap3A_271 = vector.shape_cast %add3A_266 : vector<16xf32> to vector<1x16xf32>
      tpu.vector_store %arg9[%swap3A_267, %swap3A_268], %swap3A_271 {strides = array<i32>} : memref<128x128xf32, #tpu.memory_space<vmem>>, vector<1x16xf32>,
      %mul3A_272 = arith.constant 2 : i32
      %mul3A_273 = arith.muli %scan3A_148, %mul3A_272 : i32
      %add3A_274 = arith.constant 1 : i32
      %add3A_275 = arith.addi %mul3A_273, %add3A_274 : i32
      %get3A_276 = arith.index_cast %add3A_275 : i32 to index
      %get3A_277 = arith.constant 0 : index
      %get3A_278 = tpu.vector_load %arg9[%get3A_276, %get3A_277] {strides = array<i32>} : memref<128x128xf32, #tpu.memory_space<vmem>>, vector<1x16xf32>,
      %get3A_279 = vector.shape_cast %get3A_278 : vector<1x16xf32> to vector<16xf32>
      %get3A_280 = arith.index_cast %add3A_275 : i32 to index
      %get3A_281 = arith.constant 0 : index
      %get3A_282 = tpu.vector_load %arg7[%get3A_280, %get3A_281] {strides = array<i32>} : memref<128x128xf32, #tpu.memory_space<vmem>>, vector<1x16xf32>,
      %get3A_283 = vector.shape_cast %get3A_282 : vector<1x16xf32> to vector<16xf32>
      %add3A_284 = arith.addf %get3A_279, %get3A_283 : vector<16xf32>
      %add3A_285 = arith.addf %add3A_284, %get3A_90 : vector<16xf32>
      %swap3A_286 = arith.index_cast %add3A_275 : i32 to index
      %swap3A_287 = arith.constant 0 : index
      %swap3A_288 = tpu.vector_load %arg9[%swap3A_286, %swap3A_287] {strides = array<i32>} : memref<128x128xf32, #tpu.memory_space<vmem>>, vector<1x16xf32>,
      %swap3A_289 = vector.shape_cast %swap3A_288 : vector<1x16xf32> to vector<16xf32>
      %swap3A_290 = vector.shape_cast %add3A_285 : vector<16xf32> to vector<1x16xf32>
      tpu.vector_store %arg9[%swap3A_286, %swap3A_287], %swap3A_290 {strides = array<i32>} : memref<128x128xf32, #tpu.memory_space<vmem>>, vector<1x16xf32>,
      %get3A_291 = arith.index_cast %add3A_275 : i32 to index
      %get3A_292 = arith.constant 16 : index
      %get3A_293 = tpu.vector_load %arg9[%get3A_291, %get3A_292] {strides = array<i32>} : memref<128x128xf32, #tpu.memory_space<vmem>>, vector<1x16xf32>,
      %get3A_294 = vector.shape_cast %get3A_293 : vector<1x16xf32> to vector<16xf32>
      %get3A_295 = arith.index_cast %add3A_275 : i32 to index
      %get3A_296 = arith.constant 16 : index
      %get3A_297 = tpu.vector_load %arg7[%get3A_295, %get3A_296] {strides = array<i32>} : memref<128x128xf32, #tpu.memory_space<vmem>>, vector<1x16xf32>,
      %get3A_298 = vector.shape_cast %get3A_297 : vector<1x16xf32> to vector<16xf32>
      %add3A_299 = arith.addf %get3A_294, %get3A_298 : vector<16xf32>
      %add3A_300 = arith.addf %add3A_299, %get3A_94 : vector<16xf32>
      %swap3A_301 = arith.index_cast %add3A_275 : i32 to index
      %swap3A_302 = arith.constant 16 : index
      %swap3A_303 = tpu.vector_load %arg9[%swap3A_301, %swap3A_302] {strides = array<i32>} : memref<128x128xf32, #tpu.memory_space<vmem>>, vector<1x16xf32>,
      %swap3A_304 = vector.shape_cast %swap3A_303 : vector<1x16xf32> to vector<16xf32>
      %swap3A_305 = vector.shape_cast %add3A_300 : vector<16xf32> to vector<1x16xf32>
      tpu.vector_store %arg9[%swap3A_301, %swap3A_302], %swap3A_305 {strides = array<i32>} : memref<128x128xf32, #tpu.memory_space<vmem>>, vector<1x16xf32>,
      %get3A_306 = arith.index_cast %add3A_275 : i32 to index
      %get3A_307 = arith.constant 32 : index
      %get3A_308 = tpu.vector_load %arg9[%get3A_306, %get3A_307] {strides = array<i32>} : memref<128x128xf32, #tpu.memory_space<vmem>>, vector<1x16xf32>,
      %get3A_309 = vector.shape_cast %get3A_308 : vector<1x16xf32> to vector<16xf32>
      %get3A_310 = arith.index_cast %add3A_275 : i32 to index
      %get3A_311 = arith.constant 32 : index
      %get3A_312 = tpu.vector_load %arg7[%get3A_310, %get3A_311] {strides = array<i32>} : memref<128x128xf32, #tpu.memory_space<vmem>>, vector<1x16xf32>,
      %get3A_313 = vector.shape_cast %get3A_312 : vector<1x16xf32> to vector<16xf32>
      %add3A_314 = arith.addf %get3A_309, %get3A_313 : vector<16xf32>
      %add3A_315 = arith.addf %add3A_314, %get3A_98 : vector<16xf32>
      %swap3A_316 = arith.index_cast %add3A_275 : i32 to index
      %swap3A_317 = arith.constant 32 : index
      %swap3A_318 = tpu.vector_load %arg9[%swap3A_316, %swap3A_317] {strides = array<i32>} : memref<128x128xf32, #tpu.memory_space<vmem>>, vector<1x16xf32>,
      %swap3A_319 = vector.shape_cast %swap3A_318 : vector<1x16xf32> to vector<16xf32>
      %swap3A_320 = vector.shape_cast %add3A_315 : vector<16xf32> to vector<1x16xf32>
      tpu.vector_store %arg9[%swap3A_316, %swap3A_317], %swap3A_320 {strides = array<i32>} : memref<128x128xf32, #tpu.memory_space<vmem>>, vector<1x16xf32>,
      %get3A_321 = arith.index_cast %add3A_275 : i32 to index
      %get3A_322 = arith.constant 48 : index
      %get3A_323 = tpu.vector_load %arg9[%get3A_321, %get3A_322] {strides = array<i32>} : memref<128x128xf32, #tpu.memory_space<vmem>>, vector<1x16xf32>,
      %get3A_324 = vector.shape_cast %get3A_323 : vector<1x16xf32> to vector<16xf32>
      %get3A_325 = arith.index_cast %add3A_275 : i32 to index
      %get3A_326 = arith.constant 48 : index
      %get3A_327 = tpu.vector_load %arg7[%get3A_325, %get3A_326] {strides = array<i32>} : memref<128x128xf32, #tpu.memory_space<vmem>>, vector<1x16xf32>,
      %get3A_328 = vector.shape_cast %get3A_327 : vector<1x16xf32> to vector<16xf32>
      %add3A_329 = arith.addf %get3A_324, %get3A_328 : vector<16xf32>
      %add3A_330 = arith.addf %add3A_329, %get3A_102 : vector<16xf32>
      %swap3A_331 = arith.index_cast %add3A_275 : i32 to index
      %swap3A_332 = arith.constant 48 : index
      %swap3A_333 = tpu.vector_load %arg9[%swap3A_331, %swap3A_332] {strides = array<i32>} : memref<128x128xf32, #tpu.memory_space<vmem>>, vector<1x16xf32>,
      %swap3A_334 = vector.shape_cast %swap3A_333 : vector<1x16xf32> to vector<16xf32>
      %swap3A_335 = vector.shape_cast %add3A_330 : vector<16xf32> to vector<1x16xf32>
      tpu.vector_store %arg9[%swap3A_331, %swap3A_332], %swap3A_335 {strides = array<i32>} : memref<128x128xf32, #tpu.memory_space<vmem>>, vector<1x16xf32>,
      %get3A_336 = arith.index_cast %add3A_275 : i32 to index
      %get3A_337 = arith.constant 64 : index
      %get3A_338 = tpu.vector_load %arg9[%get3A_336, %get3A_337] {strides = array<i32>} : memref<128x128xf32, #tpu.memory_space<vmem>>, vector<1x16xf32>,
      %get3A_339 = vector.shape_cast %get3A_338 : vector<1x16xf32> to vector<16xf32>
      %get3A_340 = arith.index_cast %add3A_275 : i32 to index
      %get3A_341 = arith.constant 64 : index
      %get3A_342 = tpu.vector_load %arg7[%get3A_340, %get3A_341] {strides = array<i32>} : memref<128x128xf32, #tpu.memory_space<vmem>>, vector<1x16xf32>,
      %get3A_343 = vector.shape_cast %get3A_342 : vector<1x16xf32> to vector<16xf32>
      %add3A_344 = arith.addf %get3A_339, %get3A_343 : vector<16xf32>
      %add3A_345 = arith.addf %add3A_344, %get3A_106 : vector<16xf32>
      %swap3A_346 = arith.index_cast %add3A_275 : i32 to index
      %swap3A_347 = arith.constant 64 : index
      %swap3A_348 = tpu.vector_load %arg9[%swap3A_346, %swap3A_347] {strides = array<i32>} : memref<128x128xf32, #tpu.memory_space<vmem>>, vector<1x16xf32>,
      %swap3A_349 = vector.shape_cast %swap3A_348 : vector<1x16xf32> to vector<16xf32>
      %swap3A_350 = vector.shape_cast %add3A_345 : vector<16xf32> to vector<1x16xf32>
      tpu.vector_store %arg9[%swap3A_346, %swap3A_347], %swap3A_350 {strides = array<i32>} : memref<128x128xf32, #tpu.memory_space<vmem>>, vector<1x16xf32>,
      %get3A_351 = arith.index_cast %add3A_275 : i32 to index
      %get3A_352 = arith.constant 80 : index
      %get3A_353 = tpu.vector_load %arg9[%get3A_351, %get3A_352] {strides = array<i32>} : memref<128x128xf32, #tpu.memory_space<vmem>>, vector<1x16xf32>,
      %get3A_354 = vector.shape_cast %get3A_353 : vector<1x16xf32> to vector<16xf32>
      %get3A_355 = arith.index_cast %add3A_275 : i32 to index
      %get3A_356 = arith.constant 80 : index
      %get3A_357 = tpu.vector_load %arg7[%get3A_355, %get3A_356] {strides = array<i32>} : memref<128x128xf32, #tpu.memory_space<vmem>>, vector<1x16xf32>,
      %get3A_358 = vector.shape_cast %get3A_357 : vector<1x16xf32> to vector<16xf32>
      %add3A_359 = arith.addf %get3A_354, %get3A_358 : vector<16xf32>
      %add3A_360 = arith.addf %add3A_359, %get3A_110 : vector<16xf32>
      %swap3A_361 = arith.index_cast %add3A_275 : i32 to index
      %swap3A_362 = arith.constant 80 : index
      %swap3A_363 = tpu.vector_load %arg9[%swap3A_361, %swap3A_362] {strides = array<i32>} : memref<128x128xf32, #tpu.memory_space<vmem>>, vector<1x16xf32>,
      %swap3A_364 = vector.shape_cast %swap3A_363 : vector<1x16xf32> to vector<16xf32>
      %swap3A_365 = vector.shape_cast %add3A_360 : vector<16xf32> to vector<1x16xf32>
      tpu.vector_store %arg9[%swap3A_361, %swap3A_362], %swap3A_365 {strides = array<i32>} : memref<128x128xf32, #tpu.memory_space<vmem>>, vector<1x16xf32>,
      %get3A_366 = arith.index_cast %add3A_275 : i32 to index
      %get3A_367 = arith.constant 96 : index
      %get3A_368 = tpu.vector_load %arg9[%get3A_366, %get3A_367] {strides = array<i32>} : memref<128x128xf32, #tpu.memory_space<vmem>>, vector<1x16xf32>,
      %get3A_369 = vector.shape_cast %get3A_368 : vector<1x16xf32> to vector<16xf32>
      %get3A_370 = arith.index_cast %add3A_275 : i32 to index
      %get3A_371 = arith.constant 96 : index
      %get3A_372 = tpu.vector_load %arg7[%get3A_370, %get3A_371] {strides = array<i32>} : memref<128x128xf32, #tpu.memory_space<vmem>>, vector<1x16xf32>,
      %get3A_373 = vector.shape_cast %get3A_372 : vector<1x16xf32> to vector<16xf32>
      %add3A_374 = arith.addf %get3A_369, %get3A_373 : vector<16xf32>
      %add3A_375 = arith.addf %add3A_374, %get3A_114 : vector<16xf32>
      %swap3A_376 = arith.index_cast %add3A_275 : i32 to index
      %swap3A_377 = arith.constant 96 : index
      %swap3A_378 = tpu.vector_load %arg9[%swap3A_376, %swap3A_377] {strides = array<i32>} : memref<128x128xf32, #tpu.memory_space<vmem>>, vector<1x16xf32>,
      %swap3A_379 = vector.shape_cast %swap3A_378 : vector<1x16xf32> to vector<16xf32>
      %swap3A_380 = vector.shape_cast %add3A_375 : vector<16xf32> to vector<1x16xf32>
      tpu.vector_store %arg9[%swap3A_376, %swap3A_377], %swap3A_380 {strides = array<i32>} : memref<128x128xf32, #tpu.memory_space<vmem>>, vector<1x16xf32>,
      %get3A_381 = arith.index_cast %add3A_275 : i32 to index
      %get3A_382 = arith.constant 112 : index
      %get3A_383 = tpu.vector_load %arg9[%get3A_381, %get3A_382] {strides = array<i32>} : memref<128x128xf32, #tpu.memory_space<vmem>>, vector<1x16xf32>,
      %get3A_384 = vector.shape_cast %get3A_383 : vector<1x16xf32> to vector<16xf32>
      %get3A_385 = arith.index_cast %add3A_275 : i32 to index
      %get3A_386 = arith.constant 112 : index
      %get3A_387 = tpu.vector_load %arg7[%get3A_385, %get3A_386] {strides = array<i32>} : memref<128x128xf32, #tpu.memory_space<vmem>>, vector<1x16xf32>,
      %get3A_388 = vector.shape_cast %get3A_387 : vector<1x16xf32> to vector<16xf32>
      %add3A_389 = arith.addf %get3A_384, %get3A_388 : vector<16xf32>
      %add3A_390 = arith.addf %add3A_389, %get3A_118 : vector<16xf32>
      %swap3A_391 = arith.index_cast %add3A_275 : i32 to index
      %swap3A_392 = arith.constant 112 : index
      %swap3A_393 = tpu.vector_load %arg9[%swap3A_391, %swap3A_392] {strides = array<i32>} : memref<128x128xf32, #tpu.memory_space<vmem>>, vector<1x16xf32>,
      %swap3A_394 = vector.shape_cast %swap3A_393 : vector<1x16xf32> to vector<16xf32>
      %swap3A_395 = vector.shape_cast %add3A_390 : vector<16xf32> to vector<1x16xf32>
      tpu.vector_store %arg9[%swap3A_391, %swap3A_392], %swap3A_395 {strides = array<i32>} : memref<128x128xf32, #tpu.memory_space<vmem>>, vector<1x16xf32>,
    }
    %scan3A_123 = arith.constant 64 : i32
    %dma_start3A_124 = arith.constant 0 : i32
    %dma_start3A_125 = arith.constant 0 : i32
    %dma_start3A_126 = tpu.memref_slice %arg5[%add3A_84, %dma_start3A_124, %dma_start3A_125] : memref<64x128x128xf32, #tpu.memory_space<hbm>> -> memref<1x128x128xf32, #tpu.memory_space<hbm>>
    %dma_start3A_127 = tpu.memref_squeeze %dma_start3A_126 : memref<1x128x128xf32, #tpu.memory_space<hbm>> -> memref<128x128xf32, #tpu.memory_space<hbm>>
    %dma_start3A_128 = arith.constant 0 : i32
    %dma_start3A_129 = arith.constant 0 : i32
    %dma_start3A_130 = tpu.memref_slice %arg5[%add3A_84, %dma_start3A_128, %dma_start3A_129] : memref<64x128x128xf32, #tpu.memory_space<hbm>> -> memref<1x128x128xf32, #tpu.memory_space<hbm>>
    %dma_start3A_131 = tpu.memref_squeeze %dma_start3A_130 : memref<1x128x128xf32, #tpu.memory_space<hbm>> -> memref<128x128xf32, #tpu.memory_space<hbm>>
    tpu.enqueue_dma source(%arg9 : memref<128x128xf32, #tpu.memory_space<vmem>>) target(%dma_start3A_131 : memref<128x128xf32, #tpu.memory_space<hbm>>) target_semaphore(%arg13 : memref<!tpu.dma_semaphore, #tpu.memory_space<semaphore_mem>>)
    %dma_wait3A_132 = arith.constant 0 : i32
    %dma_wait3A_133 = arith.constant 0 : i32
    %dma_wait3A_134 = tpu.memref_slice %arg5[%add3A_20, %dma_wait3A_132, %dma_wait3A_133] : memref<64x128x128xf32, #tpu.memory_space<hbm>> -> memref<1x128x128xf32, #tpu.memory_space<hbm>>
    %dma_wait3A_135 = tpu.memref_squeeze %dma_wait3A_134 : memref<1x128x128xf32, #tpu.memory_space<hbm>> -> memref<128x128xf32, #tpu.memory_space<hbm>>
    %dma_wait3A_136 = arith.constant 0 : i32
    %dma_wait3A_137 = arith.constant 0 : i32
    %dma_wait3A_138 = tpu.memref_slice %arg5[%add3A_20, %dma_wait3A_136, %dma_wait3A_137] : memref<64x128x128xf32, #tpu.memory_space<hbm>> -> memref<1x128x128xf32, #tpu.memory_space<hbm>>
    %dma_wait3A_139 = tpu.memref_squeeze %dma_wait3A_138 : memref<1x128x128xf32, #tpu.memory_space<hbm>> -> memref<128x128xf32, #tpu.memory_space<hbm>>
    tpu.wait_dma2 semaphore(%arg12 : memref<!tpu.dma_semaphore, #tpu.memory_space<semaphore_mem>>) src(%arg8 : memref<128x128xf32, #tpu.memory_space<vmem>>) dst(%dma_wait3A_139 : memref<128x128xf32, #tpu.memory_space<hbm>>)
    %dma_wait3A_140 = arith.constant 0 : i32
    %dma_wait3A_141 = arith.constant 0 : i32
    %dma_wait3A_142 = tpu.memref_slice %arg5[%add3A_84, %dma_wait3A_140, %dma_wait3A_141] : memref<64x128x128xf32, #tpu.memory_space<hbm>> -> memref<1x128x128xf32, #tpu.memory_space<hbm>>
    %dma_wait3A_143 = tpu.memref_squeeze %dma_wait3A_142 : memref<1x128x128xf32, #tpu.memory_space<hbm>> -> memref<128x128xf32, #tpu.memory_space<hbm>>
    %dma_wait3A_144 = arith.constant 0 : i32
    %dma_wait3A_145 = arith.constant 0 : i32
    %dma_wait3A_146 = tpu.memref_slice %arg5[%add3A_84, %dma_wait3A_144, %dma_wait3A_145] : memref<64x128x128xf32, #tpu.memory_space<hbm>> -> memref<1x128x128xf32, #tpu.memory_space<hbm>>
    %dma_wait3A_147 = tpu.memref_squeeze %dma_wait3A_146 : memref<1x128x128xf32, #tpu.memory_space<hbm>> -> memref<128x128xf32, #tpu.memory_space<hbm>>
    tpu.wait_dma2 semaphore(%arg13 : memref<!tpu.dma_semaphore, #tpu.memory_space<semaphore_mem>>) src(%arg9 : memref<128x128xf32, #tpu.memory_space<vmem>>) dst(%dma_wait3A_147 : memref<128x128xf32, #tpu.memory_space<hbm>>)
    return
  }
}

module attributes {stable_mosaic.version = 14 : i64} {
  func.func @_tc_body(%arg0: i32, %arg1: memref<1x64x128x128xf32, #tpu.memory_space<vmem>>, %arg2: memref<64x128xf32, #tpu.memory_space<vmem>>, %arg3: memref<128x128xf32, #tpu.memory_space<vmem>>, %arg4: memref<1x64x128x128xf32, #tpu.memory_space<vmem>>) attributes {dimension_semantics = [#tpu.dimension_semantics<arbitrary>], iteration_bounds = array<i64: 15>, scalar_prefetch = 0 : i64, scratch_operands = 0 : i64, tpu.core_type = #tpu.core_type<tc>, window_params = [{transform_indices = @transform_0, window_bounds = array<i64: 1, 64, 128, 128>}, {pipeline_mode = #tpu.pipeline_mode<synchronous>, transform_indices = @transform_1, window_bounds = array<i64: 64, 128>}, {pipeline_mode = #tpu.pipeline_mode<synchronous>, transform_indices = @transform_2, window_bounds = array<i64: 128, 128>}, {transform_indices = @transform_3, window_bounds = array<i64: 1, 64, 128, 128>}]} {
    %get3A = arith.constant 0 : index
    %get3A_0 = arith.constant 0 : index
    %get3A_1 = arith.constant 0 : index
    %get3A_2 = arith.constant 0 : index
    %get3A_3 = vector.load %arg1[%get3A, %get3A_0, %get3A_1, %get3A_2] : memref<1x64x128x128xf32, #tpu.memory_space<vmem>>, vector<1x64x128x128xf32>
    %get3A_4 = arith.constant 0 : index
    %get3A_5 = arith.constant 0 : index
    %get3A_6 = vector.load %arg2[%get3A_4, %get3A_5] : memref<64x128xf32, #tpu.memory_space<vmem>>, vector<64x128xf32>
    %get3A_7 = arith.constant 0 : index
    %get3A_8 = arith.constant 0 : index
    %get3A_9 = vector.load %arg3[%get3A_7, %get3A_8] : memref<128x128xf32, #tpu.memory_space<vmem>>, vector<128x128xf32>
    %broadcast_in_dim3A = vector.shape_cast %get3A_6 : vector<64x128xf32> to vector<1x64x1x128xf32>
    %add3A = vector.broadcast %broadcast_in_dim3A : vector<1x64x1x128xf32> to vector<1x64x128x128xf32>
    %add3A_10 = arith.addf %get3A_3, %add3A : vector<1x64x128x128xf32>
    %broadcast_in_dim3A_11 = vector.shape_cast %get3A_9 : vector<128x128xf32> to vector<1x1x128x128xf32>
    %add3A_12 = vector.broadcast %broadcast_in_dim3A_11 : vector<1x1x128x128xf32> to vector<1x64x128x128xf32>
    %add3A_13 = arith.addf %add3A_10, %add3A_12 : vector<1x64x128x128xf32>
    %swap3A = arith.constant 0 : index
    %swap3A_14 = arith.constant 0 : index
    %swap3A_15 = arith.constant 0 : index
    %swap3A_16 = arith.constant 0 : index
    %swap3A_17 = vector.load %arg4[%swap3A, %swap3A_14, %swap3A_15, %swap3A_16] : memref<1x64x128x128xf32, #tpu.memory_space<vmem>>, vector<1x64x128x128xf32>
    tpu.vector_store %arg4[%swap3A, %swap3A_14, %swap3A_15, %swap3A_16], %add3A_13 {strides = array<i32>} : memref<1x64x128x128xf32, #tpu.memory_space<vmem>>, vector<1x64x128x128xf32>,
    return
  }
  func.func @transform_0(%arg0: i32) -> (i32, i32, i32, i32) {
    %add3A = arith.constant 1 : i32
    %add3A_0 = arith.addi %arg0, %add3A : i32
    %c0_i32 = arith.constant 0 : i32
    %c0_i32_1 = arith.constant 0 : i32
    %c0_i32_2 = arith.constant 0 : i32
    %c0_i32_3 = arith.constant 0 : i32
    return %add3A_0, %c0_i32, %c0_i32_1, %c0_i32_2 : i32, i32, i32, i32
  }
  func.func @transform_1(%arg0: i32) -> (i32, i32) {
    %c0_i32 = arith.constant 0 : i32
    %c0_i32_0 = arith.constant 0 : i32
    %c0_i32_1 = arith.constant 0 : i32
    return %c0_i32, %c0_i32_0 : i32, i32
  }
  func.func @transform_2(%arg0: i32) -> (i32, i32) {
    %c0_i32 = arith.constant 0 : i32
    %c0_i32_0 = arith.constant 0 : i32
    %c0_i32_1 = arith.constant 0 : i32
    return %c0_i32, %c0_i32_0 : i32, i32
  }
  func.func @transform_3(%arg0: i32) -> (i32, i32, i32, i32) {
    %add3A = arith.constant 1 : i32
    %add3A_0 = arith.addi %arg0, %add3A : i32
    %c0_i32 = arith.constant 0 : i32
    %c0_i32_1 = arith.constant 0 : i32
    %c0_i32_2 = arith.constant 0 : i32
    %c0_i32_3 = arith.constant 0 : i32
    return %add3A_0, %c0_i32, %c0_i32_1, %c0_i32_2 : i32, i32, i32, i32
  }
}

</mosaic_0001>

<sc_bundles>
// kernel: kernel.4.cloned.1.call-start
scs
__scs_entry_jumppad:
0x0: {  	(pc) =	sbr.rel $0x88, $3  }
0x1: {  	(tag) =	ssettag $0x0;
	lr =	simm.s32 $0x1  }
0x2: {  	[smem:$0x3F9E] =	sst lr;
	_ =	strace $0xD0000000  }
0x3: {  	_ = 	snop  }
0x4: {  	_ = 	snop  }
0x5: {  	_ = 	snop  }
0x6: {  	_ = 	snop  }
0x7: {  	_ = 	snop  }
__scs_overlays_trampoline_lowered:
0x8: {  	[smem:$0x3FAD] =	sst s0  }
0x9: {  	[smem:$0x3FAE] =	sst s1  }
0xa: {  	[smem:$0x3FAF] =	sst s2  }
0xb: {  	[smem:$0x3FB0] =	sst s3  }
0xc: {  	[smem:$0x3FB1] =	sst s4  }
0xd: {  	[smem:$0x3FB2] =	sst s5  }
0xe: {  	[smem:$0x3FB3] =	sst s6  }
0xf: {  	[smem:$0x3FB4] =	sst s7  }
0x10: {  	[smem:$0x3FB5] =	sst s8  }
0x11: {  	[smem:$0x3FB6] =	sst s9;
	s0 =	simm.s32 @!p0 $0x0  }
0x12: {  	s1 =	sld [smem:$0x3F9C];
	s0 =	simm.s32 @p0 $0x1  }
0x13: {  	[smem:$0x3FB7] =	sst s0;
	s0 =	simm.s32 @!p1 $0x0  }
0x14: {  	s2 =	sld [smem:$0x3F9B];
	s0 =	simm.s32 @p1 $0x1  }
0x15: {  	[smem:$0x3FB8] =	sst s0;
	s0 =	simm.s32 @!p2 $0x0  }
0x16: {  	s3 =	sld [smem:$0x3FDB];
	s0 =	simm.s32 @p2 $0x1  }
0x17: {  	s4 =	simm.s32 $0x1BF5;
	[smem:$0x3FBA] =	sst s0  }
0x18: {  	s0 =	sld [smem:$0x3F9D];
	_ =	swait.ge [sflag:s4], $0x0  }
0x19: {  	s7 =	sld [smem:$0x3F9E]  }
0x1a: {  	s8 =	sadd.s32 $0xFFFFE003, lr  }
0x1b: {  	s9 =	sadd.s32 $0xFFFFFEF7, lr;
	s5 =	simm.s32 $0xFFFFFFFF;
	p2 =	slt.u32 s8, $0xFFFFF086  }
0x1c: {  	p1 =	slt.u32 s9, $0xF7A;
	s5 =	simm.s32 @!p2 $0x0  }
0x1d: {  	s5 =	simm.s32 @p1 $0x1;
	p0 =	seq.s32 s7, s2  }
0x1e: {  	s7 =	smul.u32 @!p0 $0xF7A, s2;
	p2 =	seq.s32 @!p0 s5, $0x0  }
0x1f: {  	s9 =	smul.u32 $0xF7A, s1;
	s8 =	simm.s32 @!p0 $0x1BF5;
	p2 =	por !p2, p0  }
0x20: {  	[sflag:s8] =	ssyncset.s32 @!p0 $0xFFFFF086;
	s6 =	sadd.s32 @!p0 s3, s7;
	s7 =	simm.s32 @!p0 $0x108  }
0x21: {  	s3 =	sadd.s32 s3, s9;
	s6 =	sadd.s32 @!p0 $0x88, s6;
	s7 =	simm.s32 @p2 $0x1082  }
0x22: {  	[simem:s7], [sflag:s8] =	dma.local @!p0 [hbm:s6], $0xF7A  }
0x23: {  	s9 =	sor.u32 $0xD0000000, s2;
	s6 =	simm.s32 $0x108;
	_ =	swait.ge @!p0 [sflag:s8], $0x0  }
0x24: {  	s3 =	sadd.s32 $0x88, s3;
	s6 =	simm.s32 @!p1 $0x1082;
	[sflag:s4] =	ssyncset.s32 $0xFFFFF086  }
0x25: {  	[simem:s6], [sflag:s4] =	dma.local [hbm:s3], $0xF7A  }
0x26: {  	[smem:$0x3F9E] =	sst s1;
	(tag) =	ssettag s2;
	_ =	strace s9  }
0x27: {  	s1 =	sld [smem:$0x3FAE]  }
0x28: {  	s2 =	sld [smem:$0x3FAF]  }
0x29: {  	s4 =	sld [smem:$0x3FB1]  }
0x2a: {  	p0 =	seq.s32 s5, $0x0;
	s5 =	sld [smem:$0x3FB2]  }
0x2b: {  	s6 =	sld [smem:$0x3FB3]  }
0x2c: {  	s7 =	sld [smem:$0x3FB4]  }
0x2d: {  	s3 =	simm.s32 $0x108;
	s8 =	sld [smem:$0x3FB5]  }
0x2e: {  	s3 =	simm.s32 @!p0 $0x1082;
	s9 =	sld [smem:$0x3FB6]  }
0x2f: {  	lr =	sadd.s32 s0, s3;
	s0 =	sld [smem:$0x3FAD]  }
0x30: {  	s3 =	sld [smem:$0x3FB0]  }
0x31: {  	[smem:$0x3FB9] =	sst s10  }
0x32: {  	s10 =	sld [smem:$0x3FB7];
	_ =	sdelay $0x3  }
0x33: {  	p0 =	seq.s32 s10, $0x1;
	s10 =	sld [smem:$0x3FB9];
	_ =	sdelay $0x3  }
0x34: {  	[smem:$0x3FB9] =	sst s10  }
0x35: {  	s10 =	sld [smem:$0x3FB8];
	_ =	sdelay $0x3  }
0x36: {  	p1 =	seq.s32 s10, $0x1;
	s10 =	sld [smem:$0x3FB9];
	_ =	sdelay $0x3  }
0x37: {  	[smem:$0x3FB9] =	sst s10  }
0x38: {  	s10 =	sld [smem:$0x3FBA]  }
0x39: {  	_ = 	snop;
	(pc) =	sbr.ind lr, $3  }
0x3a: {  	_ = 	snop  }
0x3b: {  	_ = 	snop  }
0x3c: {  	p2 =	seq.s32 s10, $0x1;
	s10 =	sld [smem:$0x3FB9]  }
0x3d: {  	_ =	shalt  }
0x3e: {  	_ =	shalt  }
0x3f: {  	_ =	shalt  }
0x40: {  	_ =	shalt  }
0x41: {  	_ =	shalt  }
0x42: {  	_ =	shalt  }
0x43: {  	_ =	shalt  }
0x44: {  	_ =	shalt  }
0x45: {  	_ =	shalt  }
0x46: {  	_ =	shalt  }
0x47: {  	_ =	shalt  }
0x48: {  	_ =	shalt  }
0x49: {  	_ =	shalt  }
0x4a: {  	_ =	shalt  }
0x4b: {  	_ =	shalt  }
0x4c: {  	_ =	shalt  }
0x4d: {  	_ =	shalt  }
0x4e: {  	_ =	shalt  }
0x4f: {  	_ =	shalt  }
0x50: {  	_ =	shalt  }
0x51: {  	_ =	shalt  }
0x52: {  	_ =	shalt  }
0x53: {  	_ =	shalt  }
0x54: {  	_ =	shalt  }
0x55: {  	_ =	shalt  }
0x56: {  	_ =	shalt  }
0x57: {  	_ =	shalt  }
0x58: {  	_ =	shalt  }
0x59: {  	_ =	shalt  }
0x5a: {  	_ =	shalt  }
0x5b: {  	_ =	shalt  }
0x5c: {  	_ =	shalt  }
0x5d: {  	_ =	shalt  }
0x5e: {  	_ =	shalt  }
0x5f: {  	_ =	shalt  }
0x60: {  	_ =	shalt  }
0x61: {  	_ =	shalt  }
0x62: {  	_ =	shalt  }
0x63: {  	_ =	shalt  }
0x64: {  	_ =	shalt  }
0x65: {  	_ =	shalt  }
0x66: {  	_ =	shalt  }
0x67: {  	_ =	shalt  }
0x68: {  	_ =	shalt  }
0x69: {  	_ =	shalt  }
0x6a: {  	_ =	shalt  }
0x6b: {  	_ =	shalt  }
0x6c: {  	_ =	shalt  }
0x6d: {  	_ =	shalt  }
0x6e: {  	_ =	shalt  }
0x6f: {  	_ =	shalt  }
0x70: {  	_ =	shalt  }
0x71: {  	_ =	shalt  }
0x72: {  	_ =	shalt  }
0x73: {  	_ =	shalt  }
0x74: {  	_ =	shalt  }
0x75: {  	_ =	shalt  }
0x76: {  	_ =	shalt  }
0x77: {  	_ =	shalt  }
0x78: {  	_ =	shalt  }
0x79: {  	_ =	shalt  }
0x7a: {  	_ =	shalt  }
0x7b: {  	_ =	shalt  }
0x7c: {  	_ =	shalt  }
0x7d: {  	_ =	shalt  }
0x7e: {  	_ =	shalt  }
0x7f: {  	_ =	shalt  }
0x80: {  	_ =	shalt  }
0x81: {  	_ =	shalt  }
0x82: {  	_ =	shalt  }
0x83: {  	_ =	shalt  }
0x84: {  	_ =	shalt  }
0x85: {  	_ =	shalt  }
0x86: {  	_ =	shalt  }
0x87: {  	_ =	shalt  }
.Lfunc_end0:
.L_simem_size_0:
called_computation_lowered:
.L_overlay_start_0:
0x88: {  	s2 =	sld [smem:$0x3FD9]  }
0x89: {  	s3 =	sld [smem:$0x3FFE];
	_ =	sdelay $0x1  }
0x8a: {  	s1 =	srdreg.scid  }
0x8b: {  	s0 =	sand.u32 $0x1, s1  }
0x8c: {  	s17 =	sshll.u32 s0, $0xA;
	s2 =	sadd.s32 s3, s2  }
0x8d: {  	s2 =	sadd.s32 s2, s17  }
0x8e: {  	[smem:$0x3FC5] =	sst s2  }
0x8f: {  	_ = 	snop  }
0x90: {  	s2 =	sld [smem:$0x3FC9]  }
0x91: {  	s18 =	sld [smem:$0x3FC8]  }
0x92: {  	s4 =	sld [smem:$0x3FC7];
	(tm) =	ssettm $0x1  }
0x93: {  	s5 =	sld [smem:$0x3FFB];
	_ =	sdelay $0x3  }
0x94: {  	_ =	strace s5  }
0x95: {  	s5 =	sld [smem:$0x3FFC];
	_ =	sdelay $0x3  }
0x96: {  	_ =	strace s5  }
0x97: {  	s5 =	sld [smem:$0x3FFD];
	_ =	sdelay $0x3  }
0x98: {  	_ =	strace s5  }
0x99: {  	_ =	strace $0x8FFFFFFF  }
0x9a: {  	s19 =	sld [smem:$0x3FDB];
	_ =	sdelay $0x1  }
0x9b: {  	s6 =	simm.s32 $_scs_section_size  }
0x9c: {  	s7 =	simm.s32 $_size__tile_overlayer_lowered;
	s8 =	simm.s32 $_tile_overlayer_lowered  }
0x9d: {  	s22 =	simm.s32 $0x1BFF;
	s21 =	sshll.u32 s8, $0x1;
	s5 =	sadd.s32 s6, s19  }
0x9e: {  	s9 =	simm.s32 $0x0;
	s20 =	sshll.u32 s7, $0x1;
	s7 =	sadd.s32 s21, s5  }
0x9f: {  	[timem:s9], [sflag:s22] =	dma.local [hbm:s7], s20  }
0xa0: {  	_ =	swait.ge [sflag:s22], s20  }
0xa1: {  	s6 =	ssub.s32 $0x0, s20;
	[sflag:s22] =	ssyncset.done $0x0  }
0xa2: {  	[sflag:s22] =	ssyncadd.s32 s6;
	_ =	sdelay $0x1  }
0xa3: {  	s23 =	simm.s32 $0x1B8B  }
0xa4: {  	_ =	swait.ge [sflag:s23], $0x1  }
0xa5: {  	[sflag:s23] =	ssyncset.done $0x0  }
0xa6: {  	s25 =	simm.s32 $0x1B8E;
	s24 =	sld [smem:$0x3FFE];
	[sflag:s23] =	ssyncadd.s32 $0xFFFFFFFF  }
0xa7: {  	s26 =	simm.s32 $execute0_lowered;
	[smem:$0x3FD2] =	sst s25  }
0xa8: {  	s7 =	sshll.u32 s26, $0x1;
	_ =	strace $0x80000046;
	[dreg:$0x1] =	wrdreg $0xFFFFFFFF  }
0xa9: {  	s28 =	simm.s32 $_size_execute0_lowered;
	s5 =	sadd.s32 s5, s7;
	[dreg:$0x0] =	wrdreg $0x0  }
0xaa: {  	s7 =	sshll.u32 s28, $0x1;
	[dreg:$0x2] =	wrdreg s5  }
0xab: {  	[dreg:$0x3] =	wrdreg s7  }
0xac: {  	[dreg:$0x4] =	wrdreg $0xC0  }
0xad: {  	_ =	task [dreg:s9], $0x5FFFF  }
0xae: {  	[dreg:$0x1] =	wrdreg $0xFFFFFFFF  }
0xaf: {  	[dreg:$0x0] =	wrdreg $0x60  }
0xb0: {  	[dreg:$0x2] =	wrdreg s2  }
0xb1: {  	[dreg:$0x3] =	wrdreg s18  }
0xb2: {  	[dreg:$0x4] =	wrdreg s4  }
0xb3: {  	[dreg:$0x5] =	wrdreg s24  }
0xb4: {  	[dreg:$0x6] =	wrdreg $0x9  }
0xb5: {  	_ =	task.clear_ibuf [dreg:s9], $0x7FFFF;
	_ =	strace $0x90000046  }
0xb6: {  	s29 =	simm.s32 $0x9;
	_ =	strace $0x80000048  }
0xb7: {  	_ =	swait.ge [sflag:s29], $0x1  }
0xb8: {  	[sflag:s29] =	ssyncadd.s32 $0xFFFFFFFF  }
0xb9: {  	_ =	strace $0x90000048  }
0xba: {  	_ =	sfence  }
0xbb: {  	s30 =	sld [smem:$0x0];
	_ =	sdelay $0x2  }
0xbc: {  	s31 =	sshll.u32 s1, $0xD;
	s1 =	sshrl.u32 s1, $0x2  }
0xbd: {  	s3 =	sand.u32 $0x4000, s31;
	s1 =	sadd.s32 s1, s30  }
0xbe: {  	s0 =	sor.u32 s3, s0;
	s1 =	sshll.u32 s1, $0x11  }
0xbf: {  	s0 =	sor.u32 s1, s0  }
0xc0: {  	s0 =	sadd.s32 $0x8F2B, s0  }
0xc1: {  	[sflag:s0] =	ssyncadd.remote.s32 $0x1  }
0xc2: {  	_ =	sfence.sel $0xFFFF  }
0xc3: {  	[dreg:$0x0] =	wrdreg $0xFFFFFFFF;
	(pc) =	sbr.abs _section_cstart, $3  }
0xc4: {  	[dreg:$0x1] =	wrdreg $0xFFFFFFFF  }
0xc5: {  	_ =	task.clear_ibuf [dreg:s9], $0x2FFFF;
	_ =	strace $0x9FFFFFFF  }
0xc6: {  	(tm) =	ssettm $0x7FFFFFFF  }
0xc7: {  	_ =	shalt  }
tec
execute0_lowered:
.L_overlay_start_1:
0x0: {  	(tag) =	ssettag $0x1  }
0x1: {  	s8 =	rddreg [dreg:$0x0]  }
0x2: {  	s1 =	rddreg [dreg:$0x1]  }
0x3: {  	s2 =	rddreg [dreg:$0x2]  }
0x4: {  	s5 =	rddreg [dreg:$0x3]  }
0x5: {  	s0 =	rddreg [dreg:$0x4];
	s4 =	simm.s32 $0x0;
	s6 =	srdreg.scid  }
0x6: {  	s3 =	stileid.u32;
	s14 =	simm.s32 $0x5;
	s15 =	simm.s32 $0x1  }
0x7: {  	s16 =	simm.s32 $0xA000;
	s17 =	simm.s32 $0x2;
	s18 =	simm.s32 $0x3  }
0x8: {  	s19 =	simm.s32 $0x4;
	s20 =	simm.s32 $0x0;
	s6 =	sand.u32 $0x1, s6  }
0x9: {  	[smem:$0x7FF] =	sst s4;
	s7 =	sshll.u32 s3, $0x2;
	s9 =	sshll.u32 s6, $0x1  }
0xa: {  	s10 =	sadd.s32 $0x800, s5;
	s29 =	ssub.s32 $0x2, s6;
	s30 =	sor.u32 s9, s7  }
0xb: {  	_ =	strace $0x80000047;
	s31 =	sshrl.u32 s29, $0x1;
	s9 =	sshll.u32 s30, $0xB  }
0xc: {  	s11 =	sor.u32 $0x1, s30;
	s12 =	ssub.s32 s29, s31;
	s6 =	sshll.u32 s30, $0x7  }
0xd: {  	s5 =	sadd.s32 s8, s9;
	s13 =	sshll.u32 s11, $0xB;
	s7 =	sadd.s32 s10, s9  }
0xe: {  	s9 =	sshll.u32 s11, $0x7;
	s11 =	smax.u32 s12, $0x1;
	s12 =	simm.s32 $0x2000  }
0xf: {  	s8 =	sadd.s32 s8, s13;
	s10 =	sadd.s32 s10, s13;
	s13 =	simm.s32 $0x6000  }
.LBB2_1:
0x10: {  	[tilespmem:s4], [sflag:$0x5] =	stream.linear.gather [hbm4b:s1+s4], $0x2000, $0x38;
	[tilespmem:$0xE000] =	vst v63  }
0x11: {  	_ = 	snop  }
0x12: {  	[tilespmem:s12], [sflag:$0x5] =	stream.linear.gather [hbm4b:s2+s4], $0x4000, $0x38;
	[tilespmem:$0xE000] =	vst v63  }
0x13: {  	_ = 	snop  }
0x14: {  	[tilespmem:s13], [sflag:$0x1] =	stream.linear.gather [hbm4b:s5+s4], $0x4000, $0x38;
	[tilespmem:$0xE000] =	vst v63  }
0x15: {  	_ =	swait.ge [sflag:s14], $0x2000  }
0x16: {  	[sflag:s14] =	ssyncset.done $0x0  }
0x17: {  	[sflag:s14] =	ssyncadd.s32 $0xFFFFE000  }
0x18: {  	_ =	swait.ge [sflag:s14], $0x4000  }
0x19: {  	[sflag:s14] =	ssyncset.done $0x0  }
0x1a: {  	[sflag:s14] =	ssyncadd.s32 $0xFFFFC000  }
0x1b: {  	_ =	swait.ge [sflag:s15], $0x4000  }
0x1c: {  	[sflag:s15] =	ssyncset.done $0x0  }
0x1d: {  	[sflag:s15] =	ssyncadd.s32 $0xFFFFC000  }
0x1e: {  	v7 =	vld [tilespmem:s6+$0x0]  }
0x1f: {  	v6 =	vld [tilespmem:s6+$0x10]  }
0x20: {  	v5 =	vld [tilespmem:s6+$0x20]  }
0x21: {  	v4 =	vld [tilespmem:s6+$0x30]  }
0x22: {  	v3 =	vld [tilespmem:s6+$0x40]  }
0x23: {  	v2 =	vld [tilespmem:s6+$0x50]  }
0x24: {  	v1 =	vld [tilespmem:s6+$0x60]  }
0x25: {  	s21 =	simm.s32 $0x0;
	v0 =	vld [tilespmem:s6+$0x70]  }
0x26: {  	v14 =	vld [tilespmem:s21+$0x2000]  }
0x27: {  	v15 =	vld [tilespmem:s21+$0x2010]  }
0x28: {  	v16 =	vld [tilespmem:s21+$0x2020]  }
0x29: {  	v17 =	vld [tilespmem:s21+$0x2030]  }
0x2a: {  	v18 =	vld [tilespmem:s21+$0x2040]  }
0x2b: {  	v19 =	vld [tilespmem:s21+$0x2050]  }
0x2c: {  	v20 =	vld [tilespmem:s21+$0x2060]  }
0x2d: {  	v21 =	vld [tilespmem:s21+$0x2070]  }
0x2e: {  	v22 =	vld [tilespmem:s21+$0x2080]  }
0x2f: {  	v23 =	vld [tilespmem:s21+$0x2090]  }
0x30: {  	v13 =	vld [tilespmem:s21+$0x20A0]  }
0x31: {  	v12 =	vld [tilespmem:s21+$0x20B0]  }
0x32: {  	v11 =	vld [tilespmem:s21+$0x20C0]  }
0x33: {  	v10 =	vld [tilespmem:s21+$0x20D0]  }
0x34: {  	v24 =	vld [tilespmem:s21+$0x6000]  }
0x35: {  	v9 =	vld [tilespmem:s21+$0x20E0]  }
0x36: {  	v8 =	vld [tilespmem:s21+$0x20F0]  }
0x37: {  	v25 =	vld [tilespmem:s21+$0x6010]  }
0x38: {  	v27 =	vld [tilespmem:s21+$0x6030]  }
0x39: {  	v26 =	vld [tilespmem:s21+$0x6020];
	v14 =	vadd.f32 v14, v24  }
0x3a: {  	v28 =	vld [tilespmem:s21+$0x6040]  }
0x3b: {  	v61 =	vld [tilespmem:s21+$0x6050];
	v14 =	vadd.f32 v14, v7  }
0x3c: {  	v29 =	vld [tilespmem:s21+$0x6060];
	v15 =	vadd.f32 v15, v25  }
0x3d: {  	v62 =	vld [tilespmem:s21+$0x6070];
	[tilespmem:s21+$0x6000] =	vst v14;
	v14 =	vadd.f32 v17, v27  }
0x3e: {  	v30 =	vld [tilespmem:s21+$0x6080];
	v16 =	vadd.f32 v16, v26;
	v15 =	vadd.f32 v15, v6  }
0x3f: {  	v63 =	vld [tilespmem:s21+$0x6090];
	v17 =	vadd.f32 v18, v28;
	v18 =	vadd.f32 v14, v4  }
0x40: {  	v19 =	vadd.f32 v19, v61;
	v16 =	vadd.f32 v16, v5;
	[tilespmem:s21+$0x6010] =	vst v15;
	v15 =	vld [tilespmem:s21+$0x60A0]  }
0x41: {  	v14 =	vld [tilespmem:s21+$0x60B0];
	v17 =	vadd.f32 v17, v3;
	[tilespmem:s21+$0x6030] =	vst v18;
	v18 =	vadd.f32 v20, v29  }
0x42: {  	v19 =	vadd.f32 v19, v2;
	[tilespmem:s21+$0x6020] =	vst v16;
	v16 =	vld [tilespmem:s21+$0x60C0];
	v20 =	vadd.f32 v21, v62  }
0x43: {  	v22 =	vadd.f32 v22, v30;
	[tilespmem:s21+$0x6040] =	vst v17;
	v17 =	vld [tilespmem:s21+$0x60D0];
	v21 =	vadd.f32 v18, v1  }
0x44: {  	s22 =	simm.s32 $0x400;
	[tilespmem:s21+$0x6050] =	vst v19;
	v19 =	vadd.f32 v20, v0;
	v20 =	vadd.f32 v23, v63;
	v18 =	vld [tilespmem:s21+$0x60E0]  }
.LBB2_2:
0x45: {  	s23 =	sshra.s32 s22, $0x2;
	p0 =	sne.s32 s22, $0xFC00;
	[tilespmem:s21+$0x6060] =	vst v21;
	v21 =	vadd.f32 v22, v7;
	v13 =	vadd.f32 v13, v15;
	v15 =	vld [tilespmem:s21+$0x60F0]  }
0x46: {  	v22 =	vld [tilespmem:s23+$0x2000];
	[tilespmem:s21+$0x6070] =	vst v19;
	v19 =	vadd.f32 v20, v6;
	v12 =	vadd.f32 v12, v14  }
0x47: {  	v14 =	vld [tilespmem:s23+$0x2010];
	[tilespmem:s21+$0x6080] =	vst v21;
	v13 =	vadd.f32 v13, v5;
	v11 =	vadd.f32 v11, v16  }
0x48: {  	v16 =	vld [tilespmem:s23+$0x2020];
	[tilespmem:s21+$0x6090] =	vst v19;
	v12 =	vadd.f32 v12, v4;
	v10 =	vadd.f32 v10, v17  }
0x49: {  	v17 =	vld [tilespmem:s23+$0x2030];
	[tilespmem:s21+$0x60A0] =	vst v13;
	v11 =	vadd.f32 v11, v3;
	v9 =	vadd.f32 v9, v18  }
0x4a: {  	v18 =	vld [tilespmem:s23+$0x2040];
	[tilespmem:s21+$0x60B0] =	vst v12;
	v10 =	vadd.f32 v10, v2;
	v8 =	vadd.f32 v8, v15  }
0x4b: {  	v15 =	vld [tilespmem:s23+$0x2050];
	[tilespmem:s21+$0x60C0] =	vst v11;
	v9 =	vadd.f32 v9, v1  }
0x4c: {  	v19 =	vld [tilespmem:s23+$0x2060];
	[tilespmem:s21+$0x60D0] =	vst v10;
	v8 =	vadd.f32 v8, v0  }
0x4d: {  	v20 =	vld [tilespmem:s23+$0x2070];
	[tilespmem:s21+$0x60E0] =	vst v9  }
0x4e: {  	v23 =	vld [tilespmem:s23+$0x2080];
	[tilespmem:s21+$0x60F0] =	vst v8;
	s21 =	smov.u32 s23  }
0x4f: {  	v24 =	vld [tilespmem:s21+$0x2090]  }
0x50: {  	v13 =	vld [tilespmem:s21+$0x20A0]  }
0x51: {  	v12 =	vld [tilespmem:s21+$0x20B0]  }
0x52: {  	v11 =	vld [tilespmem:s21+$0x20C0]  }
0x53: {  	v10 =	vld [tilespmem:s21+$0x20D0]  }
0x54: {  	v9 =	vld [tilespmem:s21+$0x20E0]  }
0x55: {  	v8 =	vld [tilespmem:s21+$0x20F0]  }
0x56: {  	v21 =	vld [tilespmem:s21+$0x6000]  }
0x57: {  	v25 =	vld [tilespmem:s21+$0x6010]  }
0x58: {  	v26 =	vld [tilespmem:s21+$0x6020]  }
0x59: {  	v27 =	vld [tilespmem:s21+$0x6030]  }
0x5a: {  	v28 =	vld [tilespmem:s21+$0x6040]  }
0x5b: {  	v21 =	vadd.f32 v22, v21;
	v22 =	vld [tilespmem:s21+$0x6050]  }
0x5c: {  	v14 =	vadd.f32 v14, v25;
	v25 =	vld [tilespmem:s21+$0x6060]  }
0x5d: {  	v21 =	vadd.f32 v21, v7;
	v16 =	vadd.f32 v16, v26;
	v26 =	vld [tilespmem:s21+$0x6070]  }
0x5e: {  	v14 =	vadd.f32 v14, v6;
	v17 =	vadd.f32 v17, v27;
	v27 =	vld [tilespmem:s21+$0x6080]  }
0x5f: {  	[tilespmem:s21+$0x6000] =	vst v21;
	v16 =	vadd.f32 v16, v5;
	v18 =	vadd.f32 v18, v28;
	v28 =	vld [tilespmem:s21+$0x6090]  }
.Ltmp0:
0x60: {  	[tilespmem:s21+$0x6010] =	vst v14;
	v17 =	vadd.f32 v17, v4;
	v21 =	vadd.f32 v15, v22;
	v15 =	vld [tilespmem:s21+$0x60A0];
	(pc) =	sbr.rel @p0 .LBB2_2-.Ltmp0, $4  }
0x61: {  	[tilespmem:s21+$0x6020] =	vst v16;
	v18 =	vadd.f32 v18, v3;
	v19 =	vadd.f32 v19, v25;
	v14 =	vld [tilespmem:s21+$0x60B0]  }
0x62: {  	[tilespmem:s21+$0x6030] =	vst v17;
	v25 =	vadd.f32 v21, v2;
	v20 =	vadd.f32 v20, v26;
	v16 =	vld [tilespmem:s21+$0x60C0]  }
0x63: {  	[tilespmem:s21+$0x6040] =	vst v18;
	v21 =	vadd.f32 v19, v1;
	v22 =	vadd.f32 v23, v27;
	v17 =	vld [tilespmem:s21+$0x60D0]  }
0x64: {  	s22 =	sadd.s32 $0x400, s22;
	[tilespmem:s21+$0x6050] =	vst v25;
	v19 =	vadd.f32 v20, v0;
	v20 =	vadd.f32 v24, v28;
	v18 =	vld [tilespmem:s21+$0x60E0]  }
0x65: {  	[tilespmem:s21+$0x6060] =	vst v21;
	v7 =	vadd.f32 v22, v7;
	v13 =	vadd.f32 v13, v15;
	v15 =	vld [tilespmem:s21+$0x60F0]  }
0x66: {  	[tilespmem:s21+$0x6070] =	vst v19;
	v6 =	vadd.f32 v20, v6;
	v12 =	vadd.f32 v12, v14  }
0x67: {  	[tilespmem:s21+$0x6080] =	vst v7;
	v5 =	vadd.f32 v13, v5;
	v7 =	vadd.f32 v11, v16  }
0x68: {  	[tilespmem:s21+$0x6090] =	vst v6;
	v4 =	vadd.f32 v12, v4;
	v6 =	vadd.f32 v10, v17  }
0x69: {  	[tilespmem:s21+$0x60A0] =	vst v5;
	v3 =	vadd.f32 v7, v3;
	v5 =	vadd.f32 v9, v18  }
0x6a: {  	[tilespmem:s21+$0x60B0] =	vst v4;
	v2 =	vadd.f32 v6, v2;
	v4 =	vadd.f32 v8, v15  }
0x6b: {  	[tilespmem:s21+$0x60C0] =	vst v3;
	v1 =	vadd.f32 v5, v1  }
0x6c: {  	[tilespmem:s21+$0x60D0] =	vst v2;
	v0 =	vadd.f32 v4, v0  }
0x6d: {  	[tilespmem:s21+$0x60E0] =	vst v1  }
0x6e: {  	s31 =	simm.s32 $0x0;
	[tilespmem:s21+$0x60F0] =	vst v0  }
0x6f: {  	[hbm4b:s7+s31] =	stream.linear.scatter [tilespmem:s13], [sflag:$0x3], $0x4000, $0x38;
	[tilespmem:$0xE000] =	vst v63  }
0x70: {  	_ = 	snop  }
0x71: {  	[tilespmem:s16], [sflag:$0x2] =	stream.linear.gather [hbm4b:s8+s31], $0x4000, $0x38;
	[tilespmem:$0xE000] =	vst v63  }
0x72: {  	_ =	swait.ge [sflag:s17], $0x4000  }
0x73: {  	[sflag:s17] =	ssyncset.done $0x0  }
0x74: {  	[sflag:s17] =	ssyncadd.s32 $0xFFFFC000  }
0x75: {  	v7 =	vld [tilespmem:s9+$0x0]  }
0x76: {  	v6 =	vld [tilespmem:s9+$0x10]  }
0x77: {  	v5 =	vld [tilespmem:s9+$0x20]  }
0x78: {  	v4 =	vld [tilespmem:s9+$0x30]  }
0x79: {  	v3 =	vld [tilespmem:s9+$0x40]  }
0x7a: {  	v2 =	vld [tilespmem:s9+$0x50]  }
0x7b: {  	v1 =	vld [tilespmem:s9+$0x60]  }
0x7c: {  	s21 =	simm.s32 $0x0;
	v0 =	vld [tilespmem:s9+$0x70]  }
0x7d: {  	v14 =	vld [tilespmem:s21+$0x2000]  }
0x7e: {  	v15 =	vld [tilespmem:s21+$0x2010]  }
0x7f: {  	v16 =	vld [tilespmem:s21+$0x2020]  }
0x80: {  	v17 =	vld [tilespmem:s21+$0x2030]  }
0x81: {  	v18 =	vld [tilespmem:s21+$0x2040]  }
0x82: {  	v19 =	vld [tilespmem:s21+$0x2050]  }
0x83: {  	v20 =	vld [tilespmem:s21+$0x2060]  }
0x84: {  	v21 =	vld [tilespmem:s21+$0x2070]  }
0x85: {  	v22 =	vld [tilespmem:s21+$0x2080]  }
0x86: {  	v23 =	vld [tilespmem:s21+$0x2090]  }
0x87: {  	v13 =	vld [tilespmem:s21+$0x20A0]  }
0x88: {  	v12 =	vld [tilespmem:s21+$0x20B0]  }
0x89: {  	v11 =	vld [tilespmem:s21+$0x20C0]  }
0x8a: {  	v10 =	vld [tilespmem:s21+$0x20D0]  }
0x8b: {  	v24 =	vld [tilespmem:s21+$0xA000]  }
0x8c: {  	v9 =	vld [tilespmem:s21+$0x20E0]  }
0x8d: {  	v8 =	vld [tilespmem:s21+$0x20F0]  }
0x8e: {  	v25 =	vld [tilespmem:s21+$0xA010]  }
0x8f: {  	v27 =	vld [tilespmem:s21+$0xA030]  }
0x90: {  	v26 =	vld [tilespmem:s21+$0xA020];
	v14 =	vadd.f32 v14, v24  }
0x91: {  	v28 =	vld [tilespmem:s21+$0xA040]  }
0x92: {  	v61 =	vld [tilespmem:s21+$0xA050];
	v14 =	vadd.f32 v14, v7  }
0x93: {  	v29 =	vld [tilespmem:s21+$0xA060];
	v15 =	vadd.f32 v15, v25  }
0x94: {  	v62 =	vld [tilespmem:s21+$0xA070];
	[tilespmem:s21+$0xA000] =	vst v14;
	v14 =	vadd.f32 v17, v27  }
0x95: {  	v30 =	vld [tilespmem:s21+$0xA080];
	v16 =	vadd.f32 v16, v26;
	v15 =	vadd.f32 v15, v6  }
0x96: {  	v63 =	vld [tilespmem:s21+$0xA090];
	v17 =	vadd.f32 v18, v28;
	v18 =	vadd.f32 v14, v4  }
0x97: {  	v19 =	vadd.f32 v19, v61;
	v16 =	vadd.f32 v16, v5;
	[tilespmem:s21+$0xA010] =	vst v15;
	v15 =	vld [tilespmem:s21+$0xA0A0]  }
0x98: {  	v14 =	vld [tilespmem:s21+$0xA0B0];
	v17 =	vadd.f32 v17, v3;
	[tilespmem:s21+$0xA030] =	vst v18;
	v18 =	vadd.f32 v20, v29  }
0x99: {  	v19 =	vadd.f32 v19, v2;
	[tilespmem:s21+$0xA020] =	vst v16;
	v16 =	vld [tilespmem:s21+$0xA0C0];
	v20 =	vadd.f32 v21, v62  }
0x9a: {  	v22 =	vadd.f32 v22, v30;
	[tilespmem:s21+$0xA040] =	vst v17;
	v17 =	vld [tilespmem:s21+$0xA0D0];
	v21 =	vadd.f32 v18, v1  }
0x9b: {  	s22 =	simm.s32 $0x400;
	[tilespmem:s21+$0xA050] =	vst v19;
	v19 =	vadd.f32 v20, v0;
	v20 =	vadd.f32 v23, v63;
	v18 =	vld [tilespmem:s21+$0xA0E0]  }
.LBB2_4:
0x9c: {  	s23 =	sshra.s32 s22, $0x2;
	p0 =	sne.s32 s22, $0xFC00;
	[tilespmem:s21+$0xA060] =	vst v21;
	v21 =	vadd.f32 v22, v7;
	v13 =	vadd.f32 v13, v15;
	v15 =	vld [tilespmem:s21+$0xA0F0]  }
0x9d: {  	v22 =	vld [tilespmem:s23+$0x2000];
	[tilespmem:s21+$0xA070] =	vst v19;
	v19 =	vadd.f32 v20, v6;
	v12 =	vadd.f32 v12, v14  }
0x9e: {  	v14 =	vld [tilespmem:s23+$0x2010];
	[tilespmem:s21+$0xA080] =	vst v21;
	v13 =	vadd.f32 v13, v5;
	v11 =	vadd.f32 v11, v16  }
0x9f: {  	v16 =	vld [tilespmem:s23+$0x2020];
	[tilespmem:s21+$0xA090] =	vst v19;
	v12 =	vadd.f32 v12, v4;
	v10 =	vadd.f32 v10, v17  }
0xa0: {  	v17 =	vld [tilespmem:s23+$0x2030];
	[tilespmem:s21+$0xA0A0] =	vst v13;
	v11 =	vadd.f32 v11, v3;
	v9 =	vadd.f32 v9, v18  }
0xa1: {  	v18 =	vld [tilespmem:s23+$0x2040];
	[tilespmem:s21+$0xA0B0] =	vst v12;
	v10 =	vadd.f32 v10, v2;
	v8 =	vadd.f32 v8, v15  }
0xa2: {  	v15 =	vld [tilespmem:s23+$0x2050];
	[tilespmem:s21+$0xA0C0] =	vst v11;
	v9 =	vadd.f32 v9, v1  }
0xa3: {  	v19 =	vld [tilespmem:s23+$0x2060];
	[tilespmem:s21+$0xA0D0] =	vst v10;
	v8 =	vadd.f32 v8, v0  }
0xa4: {  	v20 =	vld [tilespmem:s23+$0x2070];
	[tilespmem:s21+$0xA0E0] =	vst v9  }
0xa5: {  	v23 =	vld [tilespmem:s23+$0x2080];
	[tilespmem:s21+$0xA0F0] =	vst v8;
	s21 =	smov.u32 s23  }
0xa6: {  	v24 =	vld [tilespmem:s21+$0x2090]  }
0xa7: {  	v13 =	vld [tilespmem:s21+$0x20A0]  }
0xa8: {  	v12 =	vld [tilespmem:s21+$0x20B0]  }
0xa9: {  	v11 =	vld [tilespmem:s21+$0x20C0]  }
0xaa: {  	v10 =	vld [tilespmem:s21+$0x20D0]  }
0xab: {  	v9 =	vld [tilespmem:s21+$0x20E0]  }
0xac: {  	v8 =	vld [tilespmem:s21+$0x20F0]  }
0xad: {  	v21 =	vld [tilespmem:s21+$0xA000]  }
0xae: {  	v25 =	vld [tilespmem:s21+$0xA010]  }
0xaf: {  	v26 =	vld [tilespmem:s21+$0xA020]  }
0xb0: {  	v27 =	vld [tilespmem:s21+$0xA030]  }
0xb1: {  	v28 =	vld [tilespmem:s21+$0xA040]  }
0xb2: {  	v21 =	vadd.f32 v22, v21;
	v22 =	vld [tilespmem:s21+$0xA050]  }
0xb3: {  	v14 =	vadd.f32 v14, v25;
	v25 =	vld [tilespmem:s21+$0xA060]  }
0xb4: {  	v21 =	vadd.f32 v21, v7;
	v16 =	vadd.f32 v16, v26;
	v26 =	vld [tilespmem:s21+$0xA070]  }
0xb5: {  	v14 =	vadd.f32 v14, v6;
	v17 =	vadd.f32 v17, v27;
	v27 =	vld [tilespmem:s21+$0xA080]  }
0xb6: {  	[tilespmem:s21+$0xA000] =	vst v21;
	v16 =	vadd.f32 v16, v5;
	v18 =	vadd.f32 v18, v28;
	v28 =	vld [tilespmem:s21+$0xA090]  }
.Ltmp1:
0xb7: {  	[tilespmem:s21+$0xA010] =	vst v14;
	v17 =	vadd.f32 v17, v4;
	v21 =	vadd.f32 v15, v22;
	v15 =	vld [tilespmem:s21+$0xA0A0];
	(pc) =	sbr.rel @p0 .LBB2_4-.Ltmp1, $4  }
0xb8: {  	[tilespmem:s21+$0xA020] =	vst v16;
	v18 =	vadd.f32 v18, v3;
	v19 =	vadd.f32 v19, v25;
	v14 =	vld [tilespmem:s21+$0xA0B0]  }
0xb9: {  	[tilespmem:s21+$0xA030] =	vst v17;
	v25 =	vadd.f32 v21, v2;
	v20 =	vadd.f32 v20, v26;
	v16 =	vld [tilespmem:s21+$0xA0C0]  }
0xba: {  	[tilespmem:s21+$0xA040] =	vst v18;
	v21 =	vadd.f32 v19, v1;
	v22 =	vadd.f32 v23, v27;
	v17 =	vld [tilespmem:s21+$0xA0D0]  }
0xbb: {  	s22 =	sadd.s32 $0x400, s22;
	[tilespmem:s21+$0xA050] =	vst v25;
	v19 =	vadd.f32 v20, v0;
	v20 =	vadd.f32 v24, v28;
	v18 =	vld [tilespmem:s21+$0xA0E0]  }
0xbc: {  	[tilespmem:s21+$0xA060] =	vst v21;
	v7 =	vadd.f32 v22, v7;
	v13 =	vadd.f32 v13, v15;
	v59 =	vld [tilespmem:s21+$0xA0F0]  }
0xbd: {  	[tilespmem:s21+$0xA070] =	vst v19;
	v6 =	vadd.f32 v20, v6;
	v12 =	vadd.f32 v12, v14  }
0xbe: {  	[tilespmem:s21+$0xA080] =	vst v7;
	v5 =	vadd.f32 v13, v5;
	v60 =	vadd.f32 v11, v16  }
0xbf: {  	[tilespmem:s21+$0xA090] =	vst v6;
	v4 =	vadd.f32 v12, v4;
	v61 =	vadd.f32 v10, v17  }
0xc0: {  	[tilespmem:s21+$0xA0A0] =	vst v5;
	v3 =	vadd.f32 v60, v3;
	v62 =	vadd.f32 v9, v18  }
0xc1: {  	[tilespmem:s21+$0xA0B0] =	vst v4;
	v2 =	vadd.f32 v61, v2;
	v63 =	vadd.f32 v8, v59  }
0xc2: {  	[tilespmem:s21+$0xA0C0] =	vst v3;
	v1 =	vadd.f32 v62, v1  }
0xc3: {  	[tilespmem:s21+$0xA0D0] =	vst v2;
	v0 =	vadd.f32 v63, v0  }
0xc4: {  	[tilespmem:s21+$0xA0E0] =	vst v1  }
0xc5: {  	s20 =	sadd.s32 $0x1, s20;
	[tilespmem:s21+$0xA0F0] =	vst v0  }
0xc6: {  	[hbm4b:s10+s4] =	stream.linear.scatter [tilespmem:s16], [sflag:$0x4], $0x4000, $0x38;
	[tilespmem:$0xE000] =	vst v63  }
0xc7: {  	p0 =	sne.s32 s20, s11;
	_ =	swait.ge [sflag:s18], $0x4000  }
.Ltmp2:
0xc8: {  	[sflag:s18] =	ssyncset.done $0x0;
	(pc) =	sbr.rel @p0 .LBB2_1-.Ltmp2, $4  }
0xc9: {  	[sflag:s18] =	ssyncadd.s32 $0xFFFFC000  }
0xca: {  	_ =	swait.ge [sflag:s19], $0x4000  }
0xcb: {  	[sflag:s19] =	ssyncset.done $0x0  }
0xcc: {  	[sflag:s19] =	ssyncadd.s32 $0xFFFFC000  }
0xcd: {  	_ =	sfence.sel $0x180000  }
0xce: {  	[bflag:$0x0] =	sbarrier.arrive $0xFFFF  }
0xcf: {  	p0 =	sne.s32 s3, $0x0;
	_ =	strace $0x90000047  }
0xd0: {  	s0 =	sadd.s32 @!p0 $0x100000, s0;
	[bflag:$0x2] =	sbarrier.arrive $0xFFFF  }
0xd1: {  	[sflag:s0] =	ssyncadd.tile.s32 @!p0 $0x1;
	_ =	shalt  }
.Lfunc_end2:
_tile_overlayer_lowered:
.L_overlay_start_2:
0xd2: {  	(tag) =	ssettag $0x2  }
0xd3: {  	s0 =	rddreg [dreg:$0x0];
	s2 =	stileid.u32  }
0xd4: {  	s1 =	rddreg [dreg:$0x1];
	p0 =	sne.s32 s2, $0x0  }
0xd5: {  	s3 =	rddreg [dreg:$0x2];
	[bflag:$0x3] =	sbarrier.arrive $0xFFFF;
	s2 =	simm.s32 @!p0 $0x1C06  }
0xd6: {  	[timem:s3], [sflag:s2] =	dma.local @!p0 [hbm:s0], s1  }
0xd7: {  	s0 =	simm.s32 @!p0 $0x6  }
0xd8: {  	_ =	swait.ge @!p0 [sflag:s0], s1  }
0xd9: {  	s1 =	ssub.s32 @!p0 $0x0, s1;
	[sflag:s0] =	ssyncset.done @!p0 $0x0  }
0xda: {  	[sflag:s0] =	ssyncadd.s32 @!p0 s1  }
0xdb: {  	[bflag:$0x3] =	sbarrier.arrive $0xFFFF  }
0xdc: {  	_ =	shalt  }

</sc_bundles>
